<compile_context>
chip_gen: v7x
topology: tpu7x:2x2x1
jax: 0.10.2.dev20260603
libtpu: 0.0.44.dev20260713+nightly
codegen_flags: <defaults>
</compile_context>

<pallas_src>
import functools

import jax
import jax.numpy as jnp
from jax import lax
from jax.experimental import pallas as pl
from jax.experimental.pallas import tpu as pltpu
from jax.experimental.pallas import tpu_sc as plsc

_B = 4096
_HIST = 20
_NC, _NS, _L = 2, 16, 16
_NW = _NC * _NS
_BPW = _B // _NW
_NCLS = 8

_VOCABS = [256, 256, 256, 2, 2, 35, 370, 9, 21, 14, 7, 275, 57, 2, 295]
_DIMS = [8, 8, 8, 1, 1, 6, 9, 4, 5, 4, 3, 9, 6, 1, 9]
_UVOCAB, _UDIM = 69, 7
_NF = len(_VOCABS)

_ROW128 = []
_r = 0
for _v in _VOCABS:
    _ROW128.append(_r)
    _r += -(-_v // 128) * 128
_UROW128 = _r
_RP = _UROW128 + -(-_UVOCAB // 128) * 128

_COL_OFF = [0] * _NF
for _i in range(1, _NF):
    _COL_OFF[_i] = _COL_OFF[_i - 1] + _DIMS[_i - 1]
_UCOL = _COL_OFF[-1] + _DIMS[-1]


def _fuse_tables_body(*refs):
    w_hbm, b_hbm = refs[0], refs[1]
    tab_hbm = refs[2:3 + _NF]
    t_hbm = refs[3 + _NF]
    w_v, b_v = refs[4 + _NF], refs[5 + _NF]
    tab_v = refs[6 + _NF:7 + 2 * _NF]
    t_v, sem = refs[-2], refs[-1]

    copies = [pltpu.make_async_copy(w_hbm, w_v, sem),
              pltpu.make_async_copy(b_hbm, b_v, sem)]
    copies += [pltpu.make_async_copy(h, v, sem)
               for h, v in zip(tab_hbm, tab_v)]
    for c in copies:
        c.start()
    for c in copies:
        c.wait()

    t_v[...] = jnp.zeros((_NCLS, _RP), jnp.float32)
    wd = w_v[1:2, :] - w_v[0:1, :]
    dims_all = _DIMS + [_UDIM]
    cols_all = _COL_OFF + [_UCOL]
    rows_all = _ROW128 + [_UROW128]
    vocs_all = _VOCABS + [_UVOCAB]
    for i in range(_NF + 1):
        d, c0, r0, v = dims_all[i], cols_all[i], rows_all[i], vocs_all[i]
        blk = lax.dot_general(
            wd[:, c0:c0 + d], tab_v[i][...],
            dimension_numbers=(((1,), (0,)), ((), ())),
            precision=lax.Precision.HIGHEST,
            preferred_element_type=jnp.float32)
        if i == 0:
            blk = blk + (b_v[0:1, 1:2] - b_v[0:1, 0:1])
        if i == _NF:
            blk = blk * (1.0 / _HIST)
        t_v[0:1, r0:r0 + v] = blk
    pltpu.make_async_copy(t_v, t_hbm, sem).start()
    pltpu.make_async_copy(t_v, t_hbm, sem).wait()


_fuse_tables = pl.pallas_call(
    _fuse_tables_body,
    in_specs=[pl.BlockSpec(memory_space=pltpu.HBM)] * (3 + _NF),
    out_specs=pl.BlockSpec(memory_space=pltpu.HBM),
    out_shape=jax.ShapeDtypeStruct((_NCLS, _RP), jnp.float32),
    scratch_shapes=(
        [pltpu.VMEM((2, 89), jnp.float32), pltpu.VMEM((1, 2), jnp.float32)]
        + [pltpu.VMEM((d, v), jnp.float32)
           for d, v in zip(_DIMS + [_UDIM], _VOCABS + [_UVOCAB])]
        + [pltpu.VMEM((_NCLS, _RP), jnp.float32), pltpu.SemaphoreType.DMA]
    ),
)


def _sc_bag_body(*refs):
    idx_hbm = refs[0:_NF]
    u_hbm, t_hbm, out_hbm = refs[_NF], refs[_NF + 1], refs[_NF + 2]
    idx_v, u_v, td_v, o_v, sem = refs[_NF + 3:]
    w = lax.axis_index("s") * _NC + lax.axis_index("c")
    base = w * _BPW
    copies = [pltpu.async_copy(t_hbm.at[0], td_v, sem)]
    copies += [pltpu.async_copy(ih.at[pl.ds(base, _BPW)], idx_v.at[f], sem)
               for f, ih in enumerate(idx_hbm)]
    copies.append(pltpu.async_copy(u_hbm.at[:, pl.ds(base, _BPW)], u_v, sem))
    for c in copies:
        c.wait()

    def group(g, carry):
        sl = pl.ds(g * _L, _L)
        acc = [jnp.zeros((_L,), jnp.float32) for _ in range(4)]
        for f in range(_NF):
            iv = idx_v[f, sl] + _ROW128[f]
            acc[f % 4] = acc[f % 4] + plsc.load_gather(td_v, [iv])
        for h in range(_HIST):
            uv = u_v[h, sl] + _UROW128
            acc[(h + 3) % 4] = acc[(h + 3) % 4] + plsc.load_gather(td_v, [uv])
        dl = (acc[0] + acc[1]) + (acc[2] + acc[3])
        e = jnp.exp(-jnp.abs(dl))
        z = e / (e + 2.0)
        z2 = z * z
        lg = 2.0 * z * (1.0 + z2 * (
            (1.0 / 3.0) + z2 * (0.2 + z2 * ((1.0 / 7.0) + z2 * (1.0 / 9.0)))))
        zero = jnp.zeros((_L,), jnp.float32)
        o_v[0, sl] = -(jnp.maximum(dl, zero) + lg)
        o_v[1, sl] = -(jnp.maximum(-dl, zero) + lg)
        return carry

    lax.fori_loop(0, _BPW // _L, group, 0)
    pltpu.sync_copy(o_v, out_hbm.at[pl.ds(2 * w, 2), :])


@functools.cache
def _make_sc_bag():
    return pl.kernel(
        _sc_bag_body,
        mesh=plsc.VectorSubcoreMesh(core_axis_name="c", subcore_axis_name="s"),
        out_type=jax.ShapeDtypeStruct((2 * _NW, _BPW), jnp.float32),
        scratch_types=[
            pltpu.VMEM((_NF, _BPW), jnp.int32),
            pltpu.VMEM((_HIST, _BPW), jnp.int32),
            pltpu.VMEM((_RP,), jnp.float32),
            pltpu.VMEM((2, _BPW), jnp.float32),
            pltpu.SemaphoreType.DMA,
        ],
        compiler_params=pltpu.CompilerParams(needs_layout_passes=False,
                                             skip_device_barrier=True),
    )


def kernel(ip1_idx, ip1_table, ip2_idx, ip2_table, ip3_idx, ip3_table,
           url_idx, url_table, aurl_idx, aurl_table,
           regionid_idx, regionid_table, cityid_idx, cityid_table,
           adexchange_idx, adexchange_table, adslotw_idx, adslotw_table,
           adsloth_idx, adsloth_table, adslotv_idx, adslotv_table,
           adslotfp_idx, adslotfp_table, creativeid_idx, creativeid_table,
           bidprice_idx, bidprice_table, payprice_idx, payprice_table,
           userids_idx, userids_table, W, b):
    tables = [ip1_table, ip2_table, ip3_table, url_table, aurl_table,
              regionid_table, cityid_table, adexchange_table, adslotw_table,
              adsloth_table, adslotv_table, adslotfp_table, creativeid_table,
              bidprice_table, payprice_table]
    idxs = [ip1_idx, ip2_idx, ip3_idx, url_idx, aurl_idx, regionid_idx,
            cityid_idx, adexchange_idx, adslotw_idx, adsloth_idx, adslotv_idx,
            adslotfp_idx, creativeid_idx, bidprice_idx, payprice_idx]

    idxs32 = [i.astype(jnp.int32) for i in idxs]
    t_full = _fuse_tables(W.T, b[None, :],
                          *[t.T for t in tables], userids_table.T)
    out = _make_sc_bag()(*idxs32, userids_idx.astype(jnp.int32).T, t_full)
    return out.reshape(_NW, 2, _BPW).transpose(0, 2, 1).reshape(_B, 2)

# --- scband reference (transcript-rebuilt; emitter-appended) ---
"""Pipeline reference for scband-lr-26233660244801 (READ-ONLY COPY).

The authoritative reference and input builder live on the scoring server;
editing this copy changes nothing except your own understanding.
"""

import jax, jax.numpy as jnp
import numpy as np

FIELDS = [
    ("ip1", 256, 8), ("ip2", 256, 8), ("ip3", 256, 8),
    ("url", 2, 1), ("aurl", 2, 1),
    ("regionid", 35, 6), ("cityid", 370, 9), ("adexchange", 9, 4),
    ("adslotw", 21, 5), ("adsloth", 14, 4), ("adslotv", 7, 3),
    ("adslotfp", 275, 9), ("creativeid", 57, 6), ("bidprice", 2, 1),
    ("payprice", 295, 9),
]
B = 4096
HIST = 20


def setup_inputs(seed: int = 0) -> dict:
    key = jax.random.key(seed)
    inp = {}
    k = key
    for name, vocab, dim in FIELDS:
        k, k1, k2 = jax.random.split(k, 3)
        inp[name + "_idx"] = jax.random.randint(k1, (B,), 0, vocab, dtype=jnp.int64) if jax.config.jax_enable_x64 else jax.random.randint(k1, (B,), 0, vocab)
        inp[name + "_table"] = jax.random.normal(k2, (vocab, dim), dtype=jnp.float32)
    k, k1, k2 = jax.random.split(k, 3)
    inp["userids_idx"] = jax.random.randint(k1, (B, HIST), 0, 69)
    inp["userids_table"] = jax.random.normal(k2, (69, 7), dtype=jnp.float32)
    k, k1, k2 = jax.random.split(k, 3)
    inp["W"] = jax.random.normal(k1, (89, 2), dtype=jnp.float32) * 0.1
    inp["b"] = jnp.zeros((2,), dtype=jnp.float32)
    return inp


def reference(
    ip1_idx, ip1_table, ip2_idx, ip2_table, ip3_idx, ip3_table,
    url_idx, url_table, aurl_idx, aurl_table,
    regionid_idx, regionid_table, cityid_idx, cityid_table,
    adexchange_idx, adexchange_table, adslotw_idx, adslotw_table,
    adsloth_idx, adsloth_table, adslotv_idx, adslotv_table,
    adslotfp_idx, adslotfp_table, creativeid_idx, creativeid_table,
    bidprice_idx, bidprice_table, payprice_idx, payprice_table,
    userids_idx, userids_table, W, b,
):
    inp = dict(locals())
    feats = []
    for name, vocab, dim in FIELDS:
        feats.append(jnp.take(inp[name + "_table"], inp[name + "_idx"], axis=0))
    u = jnp.take(inp["userids_table"], inp["userids_idx"], axis=0)  # [B, HIST, 7]
    feats.append(jnp.mean(u, axis=1))  # mean-pool multi-valued userids field
    x = jnp.concatenate(feats, axis=1)  # [B, 89]
    logits = x @ inp["W"] + inp["b"]  # Linear(89, 2)
    return jax.nn.log_softmax(logits, axis=-1)

if __name__ == "__main__":
    import jax
    _d = setup_inputs()
    print(jax.jit(kernel)(*tuple(_d.values())))

</pallas_src>

<mosaic_0001>
#map = affine_map<(d0, d1) -> (0)>
#map1 = affine_map<(d0, d1) -> (0, 0)>
module attributes {stable_mosaic.version = 14 : i64} {
  func.func @_sc_bag_body(%arg0: i32, %arg1: i32, %arg2: memref<4096xi32, #tpu.memory_space<hbm>>, %arg3: memref<4096xi32, #tpu.memory_space<hbm>>, %arg4: memref<4096xi32, #tpu.memory_space<hbm>>, %arg5: memref<4096xi32, #tpu.memory_space<hbm>>, %arg6: memref<4096xi32, #tpu.memory_space<hbm>>, %arg7: memref<4096xi32, #tpu.memory_space<hbm>>, %arg8: memref<4096xi32, #tpu.memory_space<hbm>>, %arg9: memref<4096xi32, #tpu.memory_space<hbm>>, %arg10: memref<4096xi32, #tpu.memory_space<hbm>>, %arg11: memref<4096xi32, #tpu.memory_space<hbm>>, %arg12: memref<4096xi32, #tpu.memory_space<hbm>>, %arg13: memref<4096xi32, #tpu.memory_space<hbm>>, %arg14: memref<4096xi32, #tpu.memory_space<hbm>>, %arg15: memref<4096xi32, #tpu.memory_space<hbm>>, %arg16: memref<4096xi32, #tpu.memory_space<hbm>>, %arg17: memref<20x4096xi32, #tpu.memory_space<hbm>>, %arg18: memref<8x3200xf32, #tpu.memory_space<hbm>>, %arg19: memref<64x128xf32, #tpu.memory_space<hbm>>, %arg20: memref<15x128xi32, #tpu.memory_space<vmem>>, %arg21: memref<20x128xi32, #tpu.memory_space<vmem>>, %arg22: memref<3200xf32, #tpu.memory_space<vmem>>, %arg23: memref<2x128xf32, #tpu.memory_space<vmem>>, %arg24: memref<!tpu.dma_semaphore, #tpu.memory_space<semaphore_mem>>) attributes {dimension_semantics = [#tpu.dimension_semantics<core_parallel>, #tpu.dimension_semantics<subcore_parallel>], iteration_bounds = array<i64: 2, 16>, scalar_prefetch = 0 : i64, scratch_operands = 5 : i64, tpu.core_type = #tpu.core_type<sc_vector_subcore>, window_params = [{transform_indices = #map}, {transform_indices = #map}, {transform_indices = #map}, {transform_indices = #map}, {transform_indices = #map}, {transform_indices = #map}, {transform_indices = #map}, {transform_indices = #map}, {transform_indices = #map}, {transform_indices = #map}, {transform_indices = #map}, {transform_indices = #map}, {transform_indices = #map}, {transform_indices = #map}, {transform_indices = #map}, {transform_indices = #map1}, {transform_indices = #map1}, {transform_indices = #map1}]} {
    %mul3A = arith.constant 2 : i32
    %mul3A_0 = arith.muli %arg1, %mul3A : i32
    %add3A = arith.addi %mul3A_0, %arg0 : i32
    %mul3A_1 = arith.constant 128 : i32
    %mul3A_2 = arith.muli %add3A, %mul3A_1 : i32
    %dma_start3A = arith.constant 0 : i32
    %dma_start3A_3 = arith.constant 0 : i32
    %dma_start3A_4 = tpu.memref_slice %arg18[%dma_start3A, %dma_start3A_3] : memref<8x3200xf32, #tpu.memory_space<hbm>> -> memref<1x3200xf32, #tpu.memory_space<hbm>>
    %dma_start3A_5 = tpu.memref_squeeze %dma_start3A_4 : memref<1x3200xf32, #tpu.memory_space<hbm>> -> memref<3200xf32, #tpu.memory_space<hbm>>
    %dma_start3A_6 = arith.constant 0 : i32
    %dma_start3A_7 = tpu.memref_slice %arg18[%dma_start3A, %dma_start3A_6] : memref<8x3200xf32, #tpu.memory_space<hbm>> -> memref<1x3200xf32, #tpu.memory_space<hbm>>
    %dma_start3A_8 = tpu.memref_squeeze %dma_start3A_7 : memref<1x3200xf32, #tpu.memory_space<hbm>> -> memref<3200xf32, #tpu.memory_space<hbm>>
    tpu.enqueue_dma source(%dma_start3A_8 : memref<3200xf32, #tpu.memory_space<hbm>>) target(%arg22 : memref<3200xf32, #tpu.memory_space<vmem>>) target_semaphore(%arg24 : memref<!tpu.dma_semaphore, #tpu.memory_space<semaphore_mem>>)
    %dma_start3A_9 = arith.constant 0 : i32
    %dma_start3A_10 = arith.constant 0 : i32
    %dma_start3A_11 = tpu.memref_slice %arg20[%dma_start3A_9, %dma_start3A_10] : memref<15x128xi32, #tpu.memory_space<vmem>> -> memref<1x128xi32, #tpu.memory_space<vmem>>
    %dma_start3A_12 = tpu.memref_squeeze %dma_start3A_11 : memref<1x128xi32, #tpu.memory_space<vmem>> -> memref<128xi32, #tpu.memory_space<vmem>>
    %dma_start3A_13 = tpu.memref_slice %arg2[%mul3A_2] : memref<4096xi32, #tpu.memory_space<hbm>> -> memref<128xi32, #tpu.memory_space<hbm>>
    %dma_start3A_14 = arith.constant 0 : i32
    %dma_start3A_15 = tpu.memref_slice %arg20[%dma_start3A_9, %dma_start3A_14] : memref<15x128xi32, #tpu.memory_space<vmem>> -> memref<1x128xi32, #tpu.memory_space<vmem>>
    %dma_start3A_16 = tpu.memref_squeeze %dma_start3A_15 : memref<1x128xi32, #tpu.memory_space<vmem>> -> memref<128xi32, #tpu.memory_space<vmem>>
    %dma_start3A_17 = tpu.memref_slice %arg2[%mul3A_2] : memref<4096xi32, #tpu.memory_space<hbm>> -> memref<128xi32, #tpu.memory_space<hbm>>
    tpu.enqueue_dma source(%dma_start3A_17 : memref<128xi32, #tpu.memory_space<hbm>>) target(%dma_start3A_16 : memref<128xi32, #tpu.memory_space<vmem>>) target_semaphore(%arg24 : memref<!tpu.dma_semaphore, #tpu.memory_space<semaphore_mem>>)
    %dma_start3A_18 = arith.constant 1 : i32
    %dma_start3A_19 = arith.constant 0 : i32
    %dma_start3A_20 = tpu.memref_slice %arg20[%dma_start3A_18, %dma_start3A_19] : memref<15x128xi32, #tpu.memory_space<vmem>> -> memref<1x128xi32, #tpu.memory_space<vmem>>
    %dma_start3A_21 = tpu.memref_squeeze %dma_start3A_20 : memref<1x128xi32, #tpu.memory_space<vmem>> -> memref<128xi32, #tpu.memory_space<vmem>>
    %dma_start3A_22 = tpu.memref_slice %arg3[%mul3A_2] : memref<4096xi32, #tpu.memory_space<hbm>> -> memref<128xi32, #tpu.memory_space<hbm>>
    %dma_start3A_23 = arith.constant 0 : i32
    %dma_start3A_24 = tpu.memref_slice %arg20[%dma_start3A_18, %dma_start3A_23] : memref<15x128xi32, #tpu.memory_space<vmem>> -> memref<1x128xi32, #tpu.memory_space<vmem>>
    %dma_start3A_25 = tpu.memref_squeeze %dma_start3A_24 : memref<1x128xi32, #tpu.memory_space<vmem>> -> memref<128xi32, #tpu.memory_space<vmem>>
    %dma_start3A_26 = tpu.memref_slice %arg3[%mul3A_2] : memref<4096xi32, #tpu.memory_space<hbm>> -> memref<128xi32, #tpu.memory_space<hbm>>
    tpu.enqueue_dma source(%dma_start3A_26 : memref<128xi32, #tpu.memory_space<hbm>>) target(%dma_start3A_25 : memref<128xi32, #tpu.memory_space<vmem>>) target_semaphore(%arg24 : memref<!tpu.dma_semaphore, #tpu.memory_space<semaphore_mem>>)
    %dma_start3A_27 = arith.constant 2 : i32
    %dma_start3A_28 = arith.constant 0 : i32
    %dma_start3A_29 = tpu.memref_slice %arg20[%dma_start3A_27, %dma_start3A_28] : memref<15x128xi32, #tpu.memory_space<vmem>> -> memref<1x128xi32, #tpu.memory_space<vmem>>
    %dma_start3A_30 = tpu.memref_squeeze %dma_start3A_29 : memref<1x128xi32, #tpu.memory_space<vmem>> -> memref<128xi32, #tpu.memory_space<vmem>>
    %dma_start3A_31 = tpu.memref_slice %arg4[%mul3A_2] : memref<4096xi32, #tpu.memory_space<hbm>> -> memref<128xi32, #tpu.memory_space<hbm>>
    %dma_start3A_32 = arith.constant 0 : i32
    %dma_start3A_33 = tpu.memref_slice %arg20[%dma_start3A_27, %dma_start3A_32] : memref<15x128xi32, #tpu.memory_space<vmem>> -> memref<1x128xi32, #tpu.memory_space<vmem>>
    %dma_start3A_34 = tpu.memref_squeeze %dma_start3A_33 : memref<1x128xi32, #tpu.memory_space<vmem>> -> memref<128xi32, #tpu.memory_space<vmem>>
    %dma_start3A_35 = tpu.memref_slice %arg4[%mul3A_2] : memref<4096xi32, #tpu.memory_space<hbm>> -> memref<128xi32, #tpu.memory_space<hbm>>
    tpu.enqueue_dma source(%dma_start3A_35 : memref<128xi32, #tpu.memory_space<hbm>>) target(%dma_start3A_34 : memref<128xi32, #tpu.memory_space<vmem>>) target_semaphore(%arg24 : memref<!tpu.dma_semaphore, #tpu.memory_space<semaphore_mem>>)
    %dma_start3A_36 = arith.constant 3 : i32
    %dma_start3A_37 = arith.constant 0 : i32
    %dma_start3A_38 = tpu.memref_slice %arg20[%dma_start3A_36, %dma_start3A_37] : memref<15x128xi32, #tpu.memory_space<vmem>> -> memref<1x128xi32, #tpu.memory_space<vmem>>
    %dma_start3A_39 = tpu.memref_squeeze %dma_start3A_38 : memref<1x128xi32, #tpu.memory_space<vmem>> -> memref<128xi32, #tpu.memory_space<vmem>>
    %dma_start3A_40 = tpu.memref_slice %arg5[%mul3A_2] : memref<4096xi32, #tpu.memory_space<hbm>> -> memref<128xi32, #tpu.memory_space<hbm>>
    %dma_start3A_41 = arith.constant 0 : i32
    %dma_start3A_42 = tpu.memref_slice %arg20[%dma_start3A_36, %dma_start3A_41] : memref<15x128xi32, #tpu.memory_space<vmem>> -> memref<1x128xi32, #tpu.memory_space<vmem>>
    %dma_start3A_43 = tpu.memref_squeeze %dma_start3A_42 : memref<1x128xi32, #tpu.memory_space<vmem>> -> memref<128xi32, #tpu.memory_space<vmem>>
    %dma_start3A_44 = tpu.memref_slice %arg5[%mul3A_2] : memref<4096xi32, #tpu.memory_space<hbm>> -> memref<128xi32, #tpu.memory_space<hbm>>
    tpu.enqueue_dma source(%dma_start3A_44 : memref<128xi32, #tpu.memory_space<hbm>>) target(%dma_start3A_43 : memref<128xi32, #tpu.memory_space<vmem>>) target_semaphore(%arg24 : memref<!tpu.dma_semaphore, #tpu.memory_space<semaphore_mem>>)
    %dma_start3A_45 = arith.constant 4 : i32
    %dma_start3A_46 = arith.constant 0 : i32
    %dma_start3A_47 = tpu.memref_slice %arg20[%dma_start3A_45, %dma_start3A_46] : memref<15x128xi32, #tpu.memory_space<vmem>> -> memref<1x128xi32, #tpu.memory_space<vmem>>
    %dma_start3A_48 = tpu.memref_squeeze %dma_start3A_47 : memref<1x128xi32, #tpu.memory_space<vmem>> -> memref<128xi32, #tpu.memory_space<vmem>>
    %dma_start3A_49 = tpu.memref_slice %arg6[%mul3A_2] : memref<4096xi32, #tpu.memory_space<hbm>> -> memref<128xi32, #tpu.memory_space<hbm>>
    %dma_start3A_50 = arith.constant 0 : i32
    %dma_start3A_51 = tpu.memref_slice %arg20[%dma_start3A_45, %dma_start3A_50] : memref<15x128xi32, #tpu.memory_space<vmem>> -> memref<1x128xi32, #tpu.memory_space<vmem>>
    %dma_start3A_52 = tpu.memref_squeeze %dma_start3A_51 : memref<1x128xi32, #tpu.memory_space<vmem>> -> memref<128xi32, #tpu.memory_space<vmem>>
    %dma_start3A_53 = tpu.memref_slice %arg6[%mul3A_2] : memref<4096xi32, #tpu.memory_space<hbm>> -> memref<128xi32, #tpu.memory_space<hbm>>
    tpu.enqueue_dma source(%dma_start3A_53 : memref<128xi32, #tpu.memory_space<hbm>>) target(%dma_start3A_52 : memref<128xi32, #tpu.memory_space<vmem>>) target_semaphore(%arg24 : memref<!tpu.dma_semaphore, #tpu.memory_space<semaphore_mem>>)
    %dma_start3A_54 = arith.constant 5 : i32
    %dma_start3A_55 = arith.constant 0 : i32
    %dma_start3A_56 = tpu.memref_slice %arg20[%dma_start3A_54, %dma_start3A_55] : memref<15x128xi32, #tpu.memory_space<vmem>> -> memref<1x128xi32, #tpu.memory_space<vmem>>
    %dma_start3A_57 = tpu.memref_squeeze %dma_start3A_56 : memref<1x128xi32, #tpu.memory_space<vmem>> -> memref<128xi32, #tpu.memory_space<vmem>>
    %dma_start3A_58 = tpu.memref_slice %arg7[%mul3A_2] : memref<4096xi32, #tpu.memory_space<hbm>> -> memref<128xi32, #tpu.memory_space<hbm>>
    %dma_start3A_59 = arith.constant 0 : i32
    %dma_start3A_60 = tpu.memref_slice %arg20[%dma_start3A_54, %dma_start3A_59] : memref<15x128xi32, #tpu.memory_space<vmem>> -> memref<1x128xi32, #tpu.memory_space<vmem>>
    %dma_start3A_61 = tpu.memref_squeeze %dma_start3A_60 : memref<1x128xi32, #tpu.memory_space<vmem>> -> memref<128xi32, #tpu.memory_space<vmem>>
    %dma_start3A_62 = tpu.memref_slice %arg7[%mul3A_2] : memref<4096xi32, #tpu.memory_space<hbm>> -> memref<128xi32, #tpu.memory_space<hbm>>
    tpu.enqueue_dma source(%dma_start3A_62 : memref<128xi32, #tpu.memory_space<hbm>>) target(%dma_start3A_61 : memref<128xi32, #tpu.memory_space<vmem>>) target_semaphore(%arg24 : memref<!tpu.dma_semaphore, #tpu.memory_space<semaphore_mem>>)
    %dma_start3A_63 = arith.constant 6 : i32
    %dma_start3A_64 = arith.constant 0 : i32
    %dma_start3A_65 = tpu.memref_slice %arg20[%dma_start3A_63, %dma_start3A_64] : memref<15x128xi32, #tpu.memory_space<vmem>> -> memref<1x128xi32, #tpu.memory_space<vmem>>
    %dma_start3A_66 = tpu.memref_squeeze %dma_start3A_65 : memref<1x128xi32, #tpu.memory_space<vmem>> -> memref<128xi32, #tpu.memory_space<vmem>>
    %dma_start3A_67 = tpu.memref_slice %arg8[%mul3A_2] : memref<4096xi32, #tpu.memory_space<hbm>> -> memref<128xi32, #tpu.memory_space<hbm>>
    %dma_start3A_68 = arith.constant 0 : i32
    %dma_start3A_69 = tpu.memref_slice %arg20[%dma_start3A_63, %dma_start3A_68] : memref<15x128xi32, #tpu.memory_space<vmem>> -> memref<1x128xi32, #tpu.memory_space<vmem>>
    %dma_start3A_70 = tpu.memref_squeeze %dma_start3A_69 : memref<1x128xi32, #tpu.memory_space<vmem>> -> memref<128xi32, #tpu.memory_space<vmem>>
    %dma_start3A_71 = tpu.memref_slice %arg8[%mul3A_2] : memref<4096xi32, #tpu.memory_space<hbm>> -> memref<128xi32, #tpu.memory_space<hbm>>
    tpu.enqueue_dma source(%dma_start3A_71 : memref<128xi32, #tpu.memory_space<hbm>>) target(%dma_start3A_70 : memref<128xi32, #tpu.memory_space<vmem>>) target_semaphore(%arg24 : memref<!tpu.dma_semaphore, #tpu.memory_space<semaphore_mem>>)
    %dma_start3A_72 = arith.constant 7 : i32
    %dma_start3A_73 = arith.constant 0 : i32
    %dma_start3A_74 = tpu.memref_slice %arg20[%dma_start3A_72, %dma_start3A_73] : memref<15x128xi32, #tpu.memory_space<vmem>> -> memref<1x128xi32, #tpu.memory_space<vmem>>
    %dma_start3A_75 = tpu.memref_squeeze %dma_start3A_74 : memref<1x128xi32, #tpu.memory_space<vmem>> -> memref<128xi32, #tpu.memory_space<vmem>>
    %dma_start3A_76 = tpu.memref_slice %arg9[%mul3A_2] : memref<4096xi32, #tpu.memory_space<hbm>> -> memref<128xi32, #tpu.memory_space<hbm>>
    %dma_start3A_77 = arith.constant 0 : i32
    %dma_start3A_78 = tpu.memref_slice %arg20[%dma_start3A_72, %dma_start3A_77] : memref<15x128xi32, #tpu.memory_space<vmem>> -> memref<1x128xi32, #tpu.memory_space<vmem>>
    %dma_start3A_79 = tpu.memref_squeeze %dma_start3A_78 : memref<1x128xi32, #tpu.memory_space<vmem>> -> memref<128xi32, #tpu.memory_space<vmem>>
    %dma_start3A_80 = tpu.memref_slice %arg9[%mul3A_2] : memref<4096xi32, #tpu.memory_space<hbm>> -> memref<128xi32, #tpu.memory_space<hbm>>
    tpu.enqueue_dma source(%dma_start3A_80 : memref<128xi32, #tpu.memory_space<hbm>>) target(%dma_start3A_79 : memref<128xi32, #tpu.memory_space<vmem>>) target_semaphore(%arg24 : memref<!tpu.dma_semaphore, #tpu.memory_space<semaphore_mem>>)
    %dma_start3A_81 = arith.constant 8 : i32
    %dma_start3A_82 = arith.constant 0 : i32
    %dma_start3A_83 = tpu.memref_slice %arg20[%dma_start3A_81, %dma_start3A_82] : memref<15x128xi32, #tpu.memory_space<vmem>> -> memref<1x128xi32, #tpu.memory_space<vmem>>
    %dma_start3A_84 = tpu.memref_squeeze %dma_start3A_83 : memref<1x128xi32, #tpu.memory_space<vmem>> -> memref<128xi32, #tpu.memory_space<vmem>>
    %dma_start3A_85 = tpu.memref_slice %arg10[%mul3A_2] : memref<4096xi32, #tpu.memory_space<hbm>> -> memref<128xi32, #tpu.memory_space<hbm>>
    %dma_start3A_86 = arith.constant 0 : i32
    %dma_start3A_87 = tpu.memref_slice %arg20[%dma_start3A_81, %dma_start3A_86] : memref<15x128xi32, #tpu.memory_space<vmem>> -> memref<1x128xi32, #tpu.memory_space<vmem>>
    %dma_start3A_88 = tpu.memref_squeeze %dma_start3A_87 : memref<1x128xi32, #tpu.memory_space<vmem>> -> memref<128xi32, #tpu.memory_space<vmem>>
    %dma_start3A_89 = tpu.memref_slice %arg10[%mul3A_2] : memref<4096xi32, #tpu.memory_space<hbm>> -> memref<128xi32, #tpu.memory_space<hbm>>
    tpu.enqueue_dma source(%dma_start3A_89 : memref<128xi32, #tpu.memory_space<hbm>>) target(%dma_start3A_88 : memref<128xi32, #tpu.memory_space<vmem>>) target_semaphore(%arg24 : memref<!tpu.dma_semaphore, #tpu.memory_space<semaphore_mem>>)
    %dma_start3A_90 = arith.constant 9 : i32
    %dma_start3A_91 = arith.constant 0 : i32
    %dma_start3A_92 = tpu.memref_slice %arg20[%dma_start3A_90, %dma_start3A_91] : memref<15x128xi32, #tpu.memory_space<vmem>> -> memref<1x128xi32, #tpu.memory_space<vmem>>
    %dma_start3A_93 = tpu.memref_squeeze %dma_start3A_92 : memref<1x128xi32, #tpu.memory_space<vmem>> -> memref<128xi32, #tpu.memory_space<vmem>>
    %dma_start3A_94 = tpu.memref_slice %arg11[%mul3A_2] : memref<4096xi32, #tpu.memory_space<hbm>> -> memref<128xi32, #tpu.memory_space<hbm>>
    %dma_start3A_95 = arith.constant 0 : i32
    %dma_start3A_96 = tpu.memref_slice %arg20[%dma_start3A_90, %dma_start3A_95] : memref<15x128xi32, #tpu.memory_space<vmem>> -> memref<1x128xi32, #tpu.memory_space<vmem>>
    %dma_start3A_97 = tpu.memref_squeeze %dma_start3A_96 : memref<1x128xi32, #tpu.memory_space<vmem>> -> memref<128xi32, #tpu.memory_space<vmem>>
    %dma_start3A_98 = tpu.memref_slice %arg11[%mul3A_2] : memref<4096xi32, #tpu.memory_space<hbm>> -> memref<128xi32, #tpu.memory_space<hbm>>
    tpu.enqueue_dma source(%dma_start3A_98 : memref<128xi32, #tpu.memory_space<hbm>>) target(%dma_start3A_97 : memref<128xi32, #tpu.memory_space<vmem>>) target_semaphore(%arg24 : memref<!tpu.dma_semaphore, #tpu.memory_space<semaphore_mem>>)
    %dma_start3A_99 = arith.constant 10 : i32
    %dma_start3A_100 = arith.constant 0 : i32
    %dma_start3A_101 = tpu.memref_slice %arg20[%dma_start3A_99, %dma_start3A_100] : memref<15x128xi32, #tpu.memory_space<vmem>> -> memref<1x128xi32, #tpu.memory_space<vmem>>
    %dma_start3A_102 = tpu.memref_squeeze %dma_start3A_101 : memref<1x128xi32, #tpu.memory_space<vmem>> -> memref<128xi32, #tpu.memory_space<vmem>>
    %dma_start3A_103 = tpu.memref_slice %arg12[%mul3A_2] : memref<4096xi32, #tpu.memory_space<hbm>> -> memref<128xi32, #tpu.memory_space<hbm>>
    %dma_start3A_104 = arith.constant 0 : i32
    %dma_start3A_105 = tpu.memref_slice %arg20[%dma_start3A_99, %dma_start3A_104] : memref<15x128xi32, #tpu.memory_space<vmem>> -> memref<1x128xi32, #tpu.memory_space<vmem>>
    %dma_start3A_106 = tpu.memref_squeeze %dma_start3A_105 : memref<1x128xi32, #tpu.memory_space<vmem>> -> memref<128xi32, #tpu.memory_space<vmem>>
    %dma_start3A_107 = tpu.memref_slice %arg12[%mul3A_2] : memref<4096xi32, #tpu.memory_space<hbm>> -> memref<128xi32, #tpu.memory_space<hbm>>
    tpu.enqueue_dma source(%dma_start3A_107 : memref<128xi32, #tpu.memory_space<hbm>>) target(%dma_start3A_106 : memref<128xi32, #tpu.memory_space<vmem>>) target_semaphore(%arg24 : memref<!tpu.dma_semaphore, #tpu.memory_space<semaphore_mem>>)
    %dma_start3A_108 = arith.constant 11 : i32
    %dma_start3A_109 = arith.constant 0 : i32
    %dma_start3A_110 = tpu.memref_slice %arg20[%dma_start3A_108, %dma_start3A_109] : memref<15x128xi32, #tpu.memory_space<vmem>> -> memref<1x128xi32, #tpu.memory_space<vmem>>
    %dma_start3A_111 = tpu.memref_squeeze %dma_start3A_110 : memref<1x128xi32, #tpu.memory_space<vmem>> -> memref<128xi32, #tpu.memory_space<vmem>>
    %dma_start3A_112 = tpu.memref_slice %arg13[%mul3A_2] : memref<4096xi32, #tpu.memory_space<hbm>> -> memref<128xi32, #tpu.memory_space<hbm>>
    %dma_start3A_113 = arith.constant 0 : i32
    %dma_start3A_114 = tpu.memref_slice %arg20[%dma_start3A_108, %dma_start3A_113] : memref<15x128xi32, #tpu.memory_space<vmem>> -> memref<1x128xi32, #tpu.memory_space<vmem>>
    %dma_start3A_115 = tpu.memref_squeeze %dma_start3A_114 : memref<1x128xi32, #tpu.memory_space<vmem>> -> memref<128xi32, #tpu.memory_space<vmem>>
    %dma_start3A_116 = tpu.memref_slice %arg13[%mul3A_2] : memref<4096xi32, #tpu.memory_space<hbm>> -> memref<128xi32, #tpu.memory_space<hbm>>
    tpu.enqueue_dma source(%dma_start3A_116 : memref<128xi32, #tpu.memory_space<hbm>>) target(%dma_start3A_115 : memref<128xi32, #tpu.memory_space<vmem>>) target_semaphore(%arg24 : memref<!tpu.dma_semaphore, #tpu.memory_space<semaphore_mem>>)
    %dma_start3A_117 = arith.constant 12 : i32
    %dma_start3A_118 = arith.constant 0 : i32
    %dma_start3A_119 = tpu.memref_slice %arg20[%dma_start3A_117, %dma_start3A_118] : memref<15x128xi32, #tpu.memory_space<vmem>> -> memref<1x128xi32, #tpu.memory_space<vmem>>
    %dma_start3A_120 = tpu.memref_squeeze %dma_start3A_119 : memref<1x128xi32, #tpu.memory_space<vmem>> -> memref<128xi32, #tpu.memory_space<vmem>>
    %dma_start3A_121 = tpu.memref_slice %arg14[%mul3A_2] : memref<4096xi32, #tpu.memory_space<hbm>> -> memref<128xi32, #tpu.memory_space<hbm>>
    %dma_start3A_122 = arith.constant 0 : i32
    %dma_start3A_123 = tpu.memref_slice %arg20[%dma_start3A_117, %dma_start3A_122] : memref<15x128xi32, #tpu.memory_space<vmem>> -> memref<1x128xi32, #tpu.memory_space<vmem>>
    %dma_start3A_124 = tpu.memref_squeeze %dma_start3A_123 : memref<1x128xi32, #tpu.memory_space<vmem>> -> memref<128xi32, #tpu.memory_space<vmem>>
    %dma_start3A_125 = tpu.memref_slice %arg14[%mul3A_2] : memref<4096xi32, #tpu.memory_space<hbm>> -> memref<128xi32, #tpu.memory_space<hbm>>
    tpu.enqueue_dma source(%dma_start3A_125 : memref<128xi32, #tpu.memory_space<hbm>>) target(%dma_start3A_124 : memref<128xi32, #tpu.memory_space<vmem>>) target_semaphore(%arg24 : memref<!tpu.dma_semaphore, #tpu.memory_space<semaphore_mem>>)
    %dma_start3A_126 = arith.constant 13 : i32
    %dma_start3A_127 = arith.constant 0 : i32
    %dma_start3A_128 = tpu.memref_slice %arg20[%dma_start3A_126, %dma_start3A_127] : memref<15x128xi32, #tpu.memory_space<vmem>> -> memref<1x128xi32, #tpu.memory_space<vmem>>
    %dma_start3A_129 = tpu.memref_squeeze %dma_start3A_128 : memref<1x128xi32, #tpu.memory_space<vmem>> -> memref<128xi32, #tpu.memory_space<vmem>>
    %dma_start3A_130 = tpu.memref_slice %arg15[%mul3A_2] : memref<4096xi32, #tpu.memory_space<hbm>> -> memref<128xi32, #tpu.memory_space<hbm>>
    %dma_start3A_131 = arith.constant 0 : i32
    %dma_start3A_132 = tpu.memref_slice %arg20[%dma_start3A_126, %dma_start3A_131] : memref<15x128xi32, #tpu.memory_space<vmem>> -> memref<1x128xi32, #tpu.memory_space<vmem>>
    %dma_start3A_133 = tpu.memref_squeeze %dma_start3A_132 : memref<1x128xi32, #tpu.memory_space<vmem>> -> memref<128xi32, #tpu.memory_space<vmem>>
    %dma_start3A_134 = tpu.memref_slice %arg15[%mul3A_2] : memref<4096xi32, #tpu.memory_space<hbm>> -> memref<128xi32, #tpu.memory_space<hbm>>
    tpu.enqueue_dma source(%dma_start3A_134 : memref<128xi32, #tpu.memory_space<hbm>>) target(%dma_start3A_133 : memref<128xi32, #tpu.memory_space<vmem>>) target_semaphore(%arg24 : memref<!tpu.dma_semaphore, #tpu.memory_space<semaphore_mem>>)
    %dma_start3A_135 = arith.constant 14 : i32
    %dma_start3A_136 = arith.constant 0 : i32
    %dma_start3A_137 = tpu.memref_slice %arg20[%dma_start3A_135, %dma_start3A_136] : memref<15x128xi32, #tpu.memory_space<vmem>> -> memref<1x128xi32, #tpu.memory_space<vmem>>
    %dma_start3A_138 = tpu.memref_squeeze %dma_start3A_137 : memref<1x128xi32, #tpu.memory_space<vmem>> -> memref<128xi32, #tpu.memory_space<vmem>>
    %dma_start3A_139 = tpu.memref_slice %arg16[%mul3A_2] : memref<4096xi32, #tpu.memory_space<hbm>> -> memref<128xi32, #tpu.memory_space<hbm>>
    %dma_start3A_140 = arith.constant 0 : i32
    %dma_start3A_141 = tpu.memref_slice %arg20[%dma_start3A_135, %dma_start3A_140] : memref<15x128xi32, #tpu.memory_space<vmem>> -> memref<1x128xi32, #tpu.memory_space<vmem>>
    %dma_start3A_142 = tpu.memref_squeeze %dma_start3A_141 : memref<1x128xi32, #tpu.memory_space<vmem>> -> memref<128xi32, #tpu.memory_space<vmem>>
    %dma_start3A_143 = tpu.memref_slice %arg16[%mul3A_2] : memref<4096xi32, #tpu.memory_space<hbm>> -> memref<128xi32, #tpu.memory_space<hbm>>
    tpu.enqueue_dma source(%dma_start3A_143 : memref<128xi32, #tpu.memory_space<hbm>>) target(%dma_start3A_142 : memref<128xi32, #tpu.memory_space<vmem>>) target_semaphore(%arg24 : memref<!tpu.dma_semaphore, #tpu.memory_space<semaphore_mem>>)
    %dma_start3A_144 = arith.constant 0 : i32
    %dma_start3A_145 = tpu.memref_slice %arg17[%dma_start3A_144, %mul3A_2] : memref<20x4096xi32, #tpu.memory_space<hbm>> -> memref<20x128xi32, #tpu.memory_space<hbm>>
    %dma_start3A_146 = arith.constant 0 : i32
    %dma_start3A_147 = tpu.memref_slice %arg17[%dma_start3A_146, %mul3A_2] : memref<20x4096xi32, #tpu.memory_space<hbm>> -> memref<20x128xi32, #tpu.memory_space<hbm>>
    tpu.enqueue_dma source(%dma_start3A_147 : memref<20x128xi32, #tpu.memory_space<hbm>>) target(%arg21 : memref<20x128xi32, #tpu.memory_space<vmem>>) target_semaphore(%arg24 : memref<!tpu.dma_semaphore, #tpu.memory_space<semaphore_mem>>)
    %dma_wait3A = arith.constant 0 : i32
    %dma_wait3A_148 = arith.constant 0 : i32
    %dma_wait3A_149 = tpu.memref_slice %arg18[%dma_wait3A, %dma_wait3A_148] : memref<8x3200xf32, #tpu.memory_space<hbm>> -> memref<1x3200xf32, #tpu.memory_space<hbm>>
    %dma_wait3A_150 = tpu.memref_squeeze %dma_wait3A_149 : memref<1x3200xf32, #tpu.memory_space<hbm>> -> memref<3200xf32, #tpu.memory_space<hbm>>
    %dma_wait3A_151 = arith.constant 0 : i32
    %dma_wait3A_152 = tpu.memref_slice %arg18[%dma_wait3A, %dma_wait3A_151] : memref<8x3200xf32, #tpu.memory_space<hbm>> -> memref<1x3200xf32, #tpu.memory_space<hbm>>
    %dma_wait3A_153 = tpu.memref_squeeze %dma_wait3A_152 : memref<1x3200xf32, #tpu.memory_space<hbm>> -> memref<3200xf32, #tpu.memory_space<hbm>>
    tpu.wait_dma2 semaphore(%arg24 : memref<!tpu.dma_semaphore, #tpu.memory_space<semaphore_mem>>) src(%dma_wait3A_153 : memref<3200xf32, #tpu.memory_space<hbm>>) dst(%arg22 : memref<3200xf32, #tpu.memory_space<vmem>>)
    %dma_wait3A_154 = arith.constant 0 : i32
    %dma_wait3A_155 = arith.constant 0 : i32
    %dma_wait3A_156 = tpu.memref_slice %arg20[%dma_wait3A_154, %dma_wait3A_155] : memref<15x128xi32, #tpu.memory_space<vmem>> -> memref<1x128xi32, #tpu.memory_space<vmem>>
    %dma_wait3A_157 = tpu.memref_squeeze %dma_wait3A_156 : memref<1x128xi32, #tpu.memory_space<vmem>> -> memref<128xi32, #tpu.memory_space<vmem>>
    %dma_wait3A_158 = tpu.memref_slice %arg2[%mul3A_2] : memref<4096xi32, #tpu.memory_space<hbm>> -> memref<128xi32, #tpu.memory_space<hbm>>
    %dma_wait3A_159 = arith.constant 0 : i32
    %dma_wait3A_160 = tpu.memref_slice %arg20[%dma_wait3A_154, %dma_wait3A_159] : memref<15x128xi32, #tpu.memory_space<vmem>> -> memref<1x128xi32, #tpu.memory_space<vmem>>
    %dma_wait3A_161 = tpu.memref_squeeze %dma_wait3A_160 : memref<1x128xi32, #tpu.memory_space<vmem>> -> memref<128xi32, #tpu.memory_space<vmem>>
    %dma_wait3A_162 = tpu.memref_slice %arg2[%mul3A_2] : memref<4096xi32, #tpu.memory_space<hbm>> -> memref<128xi32, #tpu.memory_space<hbm>>
    tpu.wait_dma2 semaphore(%arg24 : memref<!tpu.dma_semaphore, #tpu.memory_space<semaphore_mem>>) src(%dma_wait3A_162 : memref<128xi32, #tpu.memory_space<hbm>>) dst(%dma_wait3A_161 : memref<128xi32, #tpu.memory_space<vmem>>)
    %dma_wait3A_163 = arith.constant 1 : i32
    %dma_wait3A_164 = arith.constant 0 : i32
    %dma_wait3A_165 = tpu.memref_slice %arg20[%dma_wait3A_163, %dma_wait3A_164] : memref<15x128xi32, #tpu.memory_space<vmem>> -> memref<1x128xi32, #tpu.memory_space<vmem>>
    %dma_wait3A_166 = tpu.memref_squeeze %dma_wait3A_165 : memref<1x128xi32, #tpu.memory_space<vmem>> -> memref<128xi32, #tpu.memory_space<vmem>>
    %dma_wait3A_167 = tpu.memref_slice %arg3[%mul3A_2] : memref<4096xi32, #tpu.memory_space<hbm>> -> memref<128xi32, #tpu.memory_space<hbm>>
    %dma_wait3A_168 = arith.constant 0 : i32
    %dma_wait3A_169 = tpu.memref_slice %arg20[%dma_wait3A_163, %dma_wait3A_168] : memref<15x128xi32, #tpu.memory_space<vmem>> -> memref<1x128xi32, #tpu.memory_space<vmem>>
    %dma_wait3A_170 = tpu.memref_squeeze %dma_wait3A_169 : memref<1x128xi32, #tpu.memory_space<vmem>> -> memref<128xi32, #tpu.memory_space<vmem>>
    %dma_wait3A_171 = tpu.memref_slice %arg3[%mul3A_2] : memref<4096xi32, #tpu.memory_space<hbm>> -> memref<128xi32, #tpu.memory_space<hbm>>
    tpu.wait_dma2 semaphore(%arg24 : memref<!tpu.dma_semaphore, #tpu.memory_space<semaphore_mem>>) src(%dma_wait3A_171 : memref<128xi32, #tpu.memory_space<hbm>>) dst(%dma_wait3A_170 : memref<128xi32, #tpu.memory_space<vmem>>)
    %dma_wait3A_172 = arith.constant 2 : i32
    %dma_wait3A_173 = arith.constant 0 : i32
    %dma_wait3A_174 = tpu.memref_slice %arg20[%dma_wait3A_172, %dma_wait3A_173] : memref<15x128xi32, #tpu.memory_space<vmem>> -> memref<1x128xi32, #tpu.memory_space<vmem>>
    %dma_wait3A_175 = tpu.memref_squeeze %dma_wait3A_174 : memref<1x128xi32, #tpu.memory_space<vmem>> -> memref<128xi32, #tpu.memory_space<vmem>>
    %dma_wait3A_176 = tpu.memref_slice %arg4[%mul3A_2] : memref<4096xi32, #tpu.memory_space<hbm>> -> memref<128xi32, #tpu.memory_space<hbm>>
    %dma_wait3A_177 = arith.constant 0 : i32
    %dma_wait3A_178 = tpu.memref_slice %arg20[%dma_wait3A_172, %dma_wait3A_177] : memref<15x128xi32, #tpu.memory_space<vmem>> -> memref<1x128xi32, #tpu.memory_space<vmem>>
    %dma_wait3A_179 = tpu.memref_squeeze %dma_wait3A_178 : memref<1x128xi32, #tpu.memory_space<vmem>> -> memref<128xi32, #tpu.memory_space<vmem>>
    %dma_wait3A_180 = tpu.memref_slice %arg4[%mul3A_2] : memref<4096xi32, #tpu.memory_space<hbm>> -> memref<128xi32, #tpu.memory_space<hbm>>
    tpu.wait_dma2 semaphore(%arg24 : memref<!tpu.dma_semaphore, #tpu.memory_space<semaphore_mem>>) src(%dma_wait3A_180 : memref<128xi32, #tpu.memory_space<hbm>>) dst(%dma_wait3A_179 : memref<128xi32, #tpu.memory_space<vmem>>)
    %dma_wait3A_181 = arith.constant 3 : i32
    %dma_wait3A_182 = arith.constant 0 : i32
    %dma_wait3A_183 = tpu.memref_slice %arg20[%dma_wait3A_181, %dma_wait3A_182] : memref<15x128xi32, #tpu.memory_space<vmem>> -> memref<1x128xi32, #tpu.memory_space<vmem>>
    %dma_wait3A_184 = tpu.memref_squeeze %dma_wait3A_183 : memref<1x128xi32, #tpu.memory_space<vmem>> -> memref<128xi32, #tpu.memory_space<vmem>>
    %dma_wait3A_185 = tpu.memref_slice %arg5[%mul3A_2] : memref<4096xi32, #tpu.memory_space<hbm>> -> memref<128xi32, #tpu.memory_space<hbm>>
    %dma_wait3A_186 = arith.constant 0 : i32
    %dma_wait3A_187 = tpu.memref_slice %arg20[%dma_wait3A_181, %dma_wait3A_186] : memref<15x128xi32, #tpu.memory_space<vmem>> -> memref<1x128xi32, #tpu.memory_space<vmem>>
    %dma_wait3A_188 = tpu.memref_squeeze %dma_wait3A_187 : memref<1x128xi32, #tpu.memory_space<vmem>> -> memref<128xi32, #tpu.memory_space<vmem>>
    %dma_wait3A_189 = tpu.memref_slice %arg5[%mul3A_2] : memref<4096xi32, #tpu.memory_space<hbm>> -> memref<128xi32, #tpu.memory_space<hbm>>
    tpu.wait_dma2 semaphore(%arg24 : memref<!tpu.dma_semaphore, #tpu.memory_space<semaphore_mem>>) src(%dma_wait3A_189 : memref<128xi32, #tpu.memory_space<hbm>>) dst(%dma_wait3A_188 : memref<128xi32, #tpu.memory_space<vmem>>)
    %dma_wait3A_190 = arith.constant 4 : i32
    %dma_wait3A_191 = arith.constant 0 : i32
    %dma_wait3A_192 = tpu.memref_slice %arg20[%dma_wait3A_190, %dma_wait3A_191] : memref<15x128xi32, #tpu.memory_space<vmem>> -> memref<1x128xi32, #tpu.memory_space<vmem>>
    %dma_wait3A_193 = tpu.memref_squeeze %dma_wait3A_192 : memref<1x128xi32, #tpu.memory_space<vmem>> -> memref<128xi32, #tpu.memory_space<vmem>>
    %dma_wait3A_194 = tpu.memref_slice %arg6[%mul3A_2] : memref<4096xi32, #tpu.memory_space<hbm>> -> memref<128xi32, #tpu.memory_space<hbm>>
    %dma_wait3A_195 = arith.constant 0 : i32
    %dma_wait3A_196 = tpu.memref_slice %arg20[%dma_wait3A_190, %dma_wait3A_195] : memref<15x128xi32, #tpu.memory_space<vmem>> -> memref<1x128xi32, #tpu.memory_space<vmem>>
    %dma_wait3A_197 = tpu.memref_squeeze %dma_wait3A_196 : memref<1x128xi32, #tpu.memory_space<vmem>> -> memref<128xi32, #tpu.memory_space<vmem>>
    %dma_wait3A_198 = tpu.memref_slice %arg6[%mul3A_2] : memref<4096xi32, #tpu.memory_space<hbm>> -> memref<128xi32, #tpu.memory_space<hbm>>
    tpu.wait_dma2 semaphore(%arg24 : memref<!tpu.dma_semaphore, #tpu.memory_space<semaphore_mem>>) src(%dma_wait3A_198 : memref<128xi32, #tpu.memory_space<hbm>>) dst(%dma_wait3A_197 : memref<128xi32, #tpu.memory_space<vmem>>)
    %dma_wait3A_199 = arith.constant 5 : i32
    %dma_wait3A_200 = arith.constant 0 : i32
    %dma_wait3A_201 = tpu.memref_slice %arg20[%dma_wait3A_199, %dma_wait3A_200] : memref<15x128xi32, #tpu.memory_space<vmem>> -> memref<1x128xi32, #tpu.memory_space<vmem>>
    %dma_wait3A_202 = tpu.memref_squeeze %dma_wait3A_201 : memref<1x128xi32, #tpu.memory_space<vmem>> -> memref<128xi32, #tpu.memory_space<vmem>>
    %dma_wait3A_203 = tpu.memref_slice %arg7[%mul3A_2] : memref<4096xi32, #tpu.memory_space<hbm>> -> memref<128xi32, #tpu.memory_space<hbm>>
    %dma_wait3A_204 = arith.constant 0 : i32
    %dma_wait3A_205 = tpu.memref_slice %arg20[%dma_wait3A_199, %dma_wait3A_204] : memref<15x128xi32, #tpu.memory_space<vmem>> -> memref<1x128xi32, #tpu.memory_space<vmem>>
    %dma_wait3A_206 = tpu.memref_squeeze %dma_wait3A_205 : memref<1x128xi32, #tpu.memory_space<vmem>> -> memref<128xi32, #tpu.memory_space<vmem>>
    %dma_wait3A_207 = tpu.memref_slice %arg7[%mul3A_2] : memref<4096xi32, #tpu.memory_space<hbm>> -> memref<128xi32, #tpu.memory_space<hbm>>
    tpu.wait_dma2 semaphore(%arg24 : memref<!tpu.dma_semaphore, #tpu.memory_space<semaphore_mem>>) src(%dma_wait3A_207 : memref<128xi32, #tpu.memory_space<hbm>>) dst(%dma_wait3A_206 : memref<128xi32, #tpu.memory_space<vmem>>)
    %dma_wait3A_208 = arith.constant 6 : i32
    %dma_wait3A_209 = arith.constant 0 : i32
    %dma_wait3A_210 = tpu.memref_slice %arg20[%dma_wait3A_208, %dma_wait3A_209] : memref<15x128xi32, #tpu.memory_space<vmem>> -> memref<1x128xi32, #tpu.memory_space<vmem>>
    %dma_wait3A_211 = tpu.memref_squeeze %dma_wait3A_210 : memref<1x128xi32, #tpu.memory_space<vmem>> -> memref<128xi32, #tpu.memory_space<vmem>>
    %dma_wait3A_212 = tpu.memref_slice %arg8[%mul3A_2] : memref<4096xi32, #tpu.memory_space<hbm>> -> memref<128xi32, #tpu.memory_space<hbm>>
    %dma_wait3A_213 = arith.constant 0 : i32
    %dma_wait3A_214 = tpu.memref_slice %arg20[%dma_wait3A_208, %dma_wait3A_213] : memref<15x128xi32, #tpu.memory_space<vmem>> -> memref<1x128xi32, #tpu.memory_space<vmem>>
    %dma_wait3A_215 = tpu.memref_squeeze %dma_wait3A_214 : memref<1x128xi32, #tpu.memory_space<vmem>> -> memref<128xi32, #tpu.memory_space<vmem>>
    %dma_wait3A_216 = tpu.memref_slice %arg8[%mul3A_2] : memref<4096xi32, #tpu.memory_space<hbm>> -> memref<128xi32, #tpu.memory_space<hbm>>
    tpu.wait_dma2 semaphore(%arg24 : memref<!tpu.dma_semaphore, #tpu.memory_space<semaphore_mem>>) src(%dma_wait3A_216 : memref<128xi32, #tpu.memory_space<hbm>>) dst(%dma_wait3A_215 : memref<128xi32, #tpu.memory_space<vmem>>)
    %dma_wait3A_217 = arith.constant 7 : i32
    %dma_wait3A_218 = arith.constant 0 : i32
    %dma_wait3A_219 = tpu.memref_slice %arg20[%dma_wait3A_217, %dma_wait3A_218] : memref<15x128xi32, #tpu.memory_space<vmem>> -> memref<1x128xi32, #tpu.memory_space<vmem>>
    %dma_wait3A_220 = tpu.memref_squeeze %dma_wait3A_219 : memref<1x128xi32, #tpu.memory_space<vmem>> -> memref<128xi32, #tpu.memory_space<vmem>>
    %dma_wait3A_221 = tpu.memref_slice %arg9[%mul3A_2] : memref<4096xi32, #tpu.memory_space<hbm>> -> memref<128xi32, #tpu.memory_space<hbm>>
    %dma_wait3A_222 = arith.constant 0 : i32
    %dma_wait3A_223 = tpu.memref_slice %arg20[%dma_wait3A_217, %dma_wait3A_222] : memref<15x128xi32, #tpu.memory_space<vmem>> -> memref<1x128xi32, #tpu.memory_space<vmem>>
    %dma_wait3A_224 = tpu.memref_squeeze %dma_wait3A_223 : memref<1x128xi32, #tpu.memory_space<vmem>> -> memref<128xi32, #tpu.memory_space<vmem>>
    %dma_wait3A_225 = tpu.memref_slice %arg9[%mul3A_2] : memref<4096xi32, #tpu.memory_space<hbm>> -> memref<128xi32, #tpu.memory_space<hbm>>
    tpu.wait_dma2 semaphore(%arg24 : memref<!tpu.dma_semaphore, #tpu.memory_space<semaphore_mem>>) src(%dma_wait3A_225 : memref<128xi32, #tpu.memory_space<hbm>>) dst(%dma_wait3A_224 : memref<128xi32, #tpu.memory_space<vmem>>)
    %dma_wait3A_226 = arith.constant 8 : i32
    %dma_wait3A_227 = arith.constant 0 : i32
    %dma_wait3A_228 = tpu.memref_slice %arg20[%dma_wait3A_226, %dma_wait3A_227] : memref<15x128xi32, #tpu.memory_space<vmem>> -> memref<1x128xi32, #tpu.memory_space<vmem>>
    %dma_wait3A_229 = tpu.memref_squeeze %dma_wait3A_228 : memref<1x128xi32, #tpu.memory_space<vmem>> -> memref<128xi32, #tpu.memory_space<vmem>>
    %dma_wait3A_230 = tpu.memref_slice %arg10[%mul3A_2] : memref<4096xi32, #tpu.memory_space<hbm>> -> memref<128xi32, #tpu.memory_space<hbm>>
    %dma_wait3A_231 = arith.constant 0 : i32
    %dma_wait3A_232 = tpu.memref_slice %arg20[%dma_wait3A_226, %dma_wait3A_231] : memref<15x128xi32, #tpu.memory_space<vmem>> -> memref<1x128xi32, #tpu.memory_space<vmem>>
    %dma_wait3A_233 = tpu.memref_squeeze %dma_wait3A_232 : memref<1x128xi32, #tpu.memory_space<vmem>> -> memref<128xi32, #tpu.memory_space<vmem>>
    %dma_wait3A_234 = tpu.memref_slice %arg10[%mul3A_2] : memref<4096xi32, #tpu.memory_space<hbm>> -> memref<128xi32, #tpu.memory_space<hbm>>
    tpu.wait_dma2 semaphore(%arg24 : memref<!tpu.dma_semaphore, #tpu.memory_space<semaphore_mem>>) src(%dma_wait3A_234 : memref<128xi32, #tpu.memory_space<hbm>>) dst(%dma_wait3A_233 : memref<128xi32, #tpu.memory_space<vmem>>)
    %dma_wait3A_235 = arith.constant 9 : i32
    %dma_wait3A_236 = arith.constant 0 : i32
    %dma_wait3A_237 = tpu.memref_slice %arg20[%dma_wait3A_235, %dma_wait3A_236] : memref<15x128xi32, #tpu.memory_space<vmem>> -> memref<1x128xi32, #tpu.memory_space<vmem>>
    %dma_wait3A_238 = tpu.memref_squeeze %dma_wait3A_237 : memref<1x128xi32, #tpu.memory_space<vmem>> -> memref<128xi32, #tpu.memory_space<vmem>>
    %dma_wait3A_239 = tpu.memref_slice %arg11[%mul3A_2] : memref<4096xi32, #tpu.memory_space<hbm>> -> memref<128xi32, #tpu.memory_space<hbm>>
    %dma_wait3A_240 = arith.constant 0 : i32
    %dma_wait3A_241 = tpu.memref_slice %arg20[%dma_wait3A_235, %dma_wait3A_240] : memref<15x128xi32, #tpu.memory_space<vmem>> -> memref<1x128xi32, #tpu.memory_space<vmem>>
    %dma_wait3A_242 = tpu.memref_squeeze %dma_wait3A_241 : memref<1x128xi32, #tpu.memory_space<vmem>> -> memref<128xi32, #tpu.memory_space<vmem>>
    %dma_wait3A_243 = tpu.memref_slice %arg11[%mul3A_2] : memref<4096xi32, #tpu.memory_space<hbm>> -> memref<128xi32, #tpu.memory_space<hbm>>
    tpu.wait_dma2 semaphore(%arg24 : memref<!tpu.dma_semaphore, #tpu.memory_space<semaphore_mem>>) src(%dma_wait3A_243 : memref<128xi32, #tpu.memory_space<hbm>>) dst(%dma_wait3A_242 : memref<128xi32, #tpu.memory_space<vmem>>)
    %dma_wait3A_244 = arith.constant 10 : i32
    %dma_wait3A_245 = arith.constant 0 : i32
    %dma_wait3A_246 = tpu.memref_slice %arg20[%dma_wait3A_244, %dma_wait3A_245] : memref<15x128xi32, #tpu.memory_space<vmem>> -> memref<1x128xi32, #tpu.memory_space<vmem>>
    %dma_wait3A_247 = tpu.memref_squeeze %dma_wait3A_246 : memref<1x128xi32, #tpu.memory_space<vmem>> -> memref<128xi32, #tpu.memory_space<vmem>>
    %dma_wait3A_248 = tpu.memref_slice %arg12[%mul3A_2] : memref<4096xi32, #tpu.memory_space<hbm>> -> memref<128xi32, #tpu.memory_space<hbm>>
    %dma_wait3A_249 = arith.constant 0 : i32
    %dma_wait3A_250 = tpu.memref_slice %arg20[%dma_wait3A_244, %dma_wait3A_249] : memref<15x128xi32, #tpu.memory_space<vmem>> -> memref<1x128xi32, #tpu.memory_space<vmem>>
    %dma_wait3A_251 = tpu.memref_squeeze %dma_wait3A_250 : memref<1x128xi32, #tpu.memory_space<vmem>> -> memref<128xi32, #tpu.memory_space<vmem>>
    %dma_wait3A_252 = tpu.memref_slice %arg12[%mul3A_2] : memref<4096xi32, #tpu.memory_space<hbm>> -> memref<128xi32, #tpu.memory_space<hbm>>
    tpu.wait_dma2 semaphore(%arg24 : memref<!tpu.dma_semaphore, #tpu.memory_space<semaphore_mem>>) src(%dma_wait3A_252 : memref<128xi32, #tpu.memory_space<hbm>>) dst(%dma_wait3A_251 : memref<128xi32, #tpu.memory_space<vmem>>)
    %dma_wait3A_253 = arith.constant 11 : i32
    %dma_wait3A_254 = arith.constant 0 : i32
    %dma_wait3A_255 = tpu.memref_slice %arg20[%dma_wait3A_253, %dma_wait3A_254] : memref<15x128xi32, #tpu.memory_space<vmem>> -> memref<1x128xi32, #tpu.memory_space<vmem>>
    %dma_wait3A_256 = tpu.memref_squeeze %dma_wait3A_255 : memref<1x128xi32, #tpu.memory_space<vmem>> -> memref<128xi32, #tpu.memory_space<vmem>>
    %dma_wait3A_257 = tpu.memref_slice %arg13[%mul3A_2] : memref<4096xi32, #tpu.memory_space<hbm>> -> memref<128xi32, #tpu.memory_space<hbm>>
    %dma_wait3A_258 = arith.constant 0 : i32
    %dma_wait3A_259 = tpu.memref_slice %arg20[%dma_wait3A_253, %dma_wait3A_258] : memref<15x128xi32, #tpu.memory_space<vmem>> -> memref<1x128xi32, #tpu.memory_space<vmem>>
    %dma_wait3A_260 = tpu.memref_squeeze %dma_wait3A_259 : memref<1x128xi32, #tpu.memory_space<vmem>> -> memref<128xi32, #tpu.memory_space<vmem>>
    %dma_wait3A_261 = tpu.memref_slice %arg13[%mul3A_2] : memref<4096xi32, #tpu.memory_space<hbm>> -> memref<128xi32, #tpu.memory_space<hbm>>
    tpu.wait_dma2 semaphore(%arg24 : memref<!tpu.dma_semaphore, #tpu.memory_space<semaphore_mem>>) src(%dma_wait3A_261 : memref<128xi32, #tpu.memory_space<hbm>>) dst(%dma_wait3A_260 : memref<128xi32, #tpu.memory_space<vmem>>)
    %dma_wait3A_262 = arith.constant 12 : i32
    %dma_wait3A_263 = arith.constant 0 : i32
    %dma_wait3A_264 = tpu.memref_slice %arg20[%dma_wait3A_262, %dma_wait3A_263] : memref<15x128xi32, #tpu.memory_space<vmem>> -> memref<1x128xi32, #tpu.memory_space<vmem>>
    %dma_wait3A_265 = tpu.memref_squeeze %dma_wait3A_264 : memref<1x128xi32, #tpu.memory_space<vmem>> -> memref<128xi32, #tpu.memory_space<vmem>>
    %dma_wait3A_266 = tpu.memref_slice %arg14[%mul3A_2] : memref<4096xi32, #tpu.memory_space<hbm>> -> memref<128xi32, #tpu.memory_space<hbm>>
    %dma_wait3A_267 = arith.constant 0 : i32
    %dma_wait3A_268 = tpu.memref_slice %arg20[%dma_wait3A_262, %dma_wait3A_267] : memref<15x128xi32, #tpu.memory_space<vmem>> -> memref<1x128xi32, #tpu.memory_space<vmem>>
    %dma_wait3A_269 = tpu.memref_squeeze %dma_wait3A_268 : memref<1x128xi32, #tpu.memory_space<vmem>> -> memref<128xi32, #tpu.memory_space<vmem>>
    %dma_wait3A_270 = tpu.memref_slice %arg14[%mul3A_2] : memref<4096xi32, #tpu.memory_space<hbm>> -> memref<128xi32, #tpu.memory_space<hbm>>
    tpu.wait_dma2 semaphore(%arg24 : memref<!tpu.dma_semaphore, #tpu.memory_space<semaphore_mem>>) src(%dma_wait3A_270 : memref<128xi32, #tpu.memory_space<hbm>>) dst(%dma_wait3A_269 : memref<128xi32, #tpu.memory_space<vmem>>)
    %dma_wait3A_271 = arith.constant 13 : i32
    %dma_wait3A_272 = arith.constant 0 : i32
    %dma_wait3A_273 = tpu.memref_slice %arg20[%dma_wait3A_271, %dma_wait3A_272] : memref<15x128xi32, #tpu.memory_space<vmem>> -> memref<1x128xi32, #tpu.memory_space<vmem>>
    %dma_wait3A_274 = tpu.memref_squeeze %dma_wait3A_273 : memref<1x128xi32, #tpu.memory_space<vmem>> -> memref<128xi32, #tpu.memory_space<vmem>>
    %dma_wait3A_275 = tpu.memref_slice %arg15[%mul3A_2] : memref<4096xi32, #tpu.memory_space<hbm>> -> memref<128xi32, #tpu.memory_space<hbm>>
    %dma_wait3A_276 = arith.constant 0 : i32
    %dma_wait3A_277 = tpu.memref_slice %arg20[%dma_wait3A_271, %dma_wait3A_276] : memref<15x128xi32, #tpu.memory_space<vmem>> -> memref<1x128xi32, #tpu.memory_space<vmem>>
    %dma_wait3A_278 = tpu.memref_squeeze %dma_wait3A_277 : memref<1x128xi32, #tpu.memory_space<vmem>> -> memref<128xi32, #tpu.memory_space<vmem>>
    %dma_wait3A_279 = tpu.memref_slice %arg15[%mul3A_2] : memref<4096xi32, #tpu.memory_space<hbm>> -> memref<128xi32, #tpu.memory_space<hbm>>
    tpu.wait_dma2 semaphore(%arg24 : memref<!tpu.dma_semaphore, #tpu.memory_space<semaphore_mem>>) src(%dma_wait3A_279 : memref<128xi32, #tpu.memory_space<hbm>>) dst(%dma_wait3A_278 : memref<128xi32, #tpu.memory_space<vmem>>)
    %dma_wait3A_280 = arith.constant 14 : i32
    %dma_wait3A_281 = arith.constant 0 : i32
    %dma_wait3A_282 = tpu.memref_slice %arg20[%dma_wait3A_280, %dma_wait3A_281] : memref<15x128xi32, #tpu.memory_space<vmem>> -> memref<1x128xi32, #tpu.memory_space<vmem>>
    %dma_wait3A_283 = tpu.memref_squeeze %dma_wait3A_282 : memref<1x128xi32, #tpu.memory_space<vmem>> -> memref<128xi32, #tpu.memory_space<vmem>>
    %dma_wait3A_284 = tpu.memref_slice %arg16[%mul3A_2] : memref<4096xi32, #tpu.memory_space<hbm>> -> memref<128xi32, #tpu.memory_space<hbm>>
    %dma_wait3A_285 = arith.constant 0 : i32
    %dma_wait3A_286 = tpu.memref_slice %arg20[%dma_wait3A_280, %dma_wait3A_285] : memref<15x128xi32, #tpu.memory_space<vmem>> -> memref<1x128xi32, #tpu.memory_space<vmem>>
    %dma_wait3A_287 = tpu.memref_squeeze %dma_wait3A_286 : memref<1x128xi32, #tpu.memory_space<vmem>> -> memref<128xi32, #tpu.memory_space<vmem>>
    %dma_wait3A_288 = tpu.memref_slice %arg16[%mul3A_2] : memref<4096xi32, #tpu.memory_space<hbm>> -> memref<128xi32, #tpu.memory_space<hbm>>
    tpu.wait_dma2 semaphore(%arg24 : memref<!tpu.dma_semaphore, #tpu.memory_space<semaphore_mem>>) src(%dma_wait3A_288 : memref<128xi32, #tpu.memory_space<hbm>>) dst(%dma_wait3A_287 : memref<128xi32, #tpu.memory_space<vmem>>)
    %dma_wait3A_289 = arith.constant 0 : i32
    %dma_wait3A_290 = tpu.memref_slice %arg17[%dma_wait3A_289, %mul3A_2] : memref<20x4096xi32, #tpu.memory_space<hbm>> -> memref<20x128xi32, #tpu.memory_space<hbm>>
    %dma_wait3A_291 = arith.constant 0 : i32
    %dma_wait3A_292 = tpu.memref_slice %arg17[%dma_wait3A_291, %mul3A_2] : memref<20x4096xi32, #tpu.memory_space<hbm>> -> memref<20x128xi32, #tpu.memory_space<hbm>>
    tpu.wait_dma2 semaphore(%arg24 : memref<!tpu.dma_semaphore, #tpu.memory_space<semaphore_mem>>) src(%dma_wait3A_292 : memref<20x128xi32, #tpu.memory_space<hbm>>) dst(%arg21 : memref<20x128xi32, #tpu.memory_space<vmem>>)
    %scan3A = arith.constant 0 : i32
    %scan3A_293 = arith.constant 0 : i32
    %scan3A_294 = arith.constant 8 : i32
    %scan3A_295 = arith.addi %scan3A_293, %scan3A_294 : i32
    %scan3A_296 = arith.constant 1 : i32
    scf.for %scan3A_300 = %scan3A_293 to %scan3A_295 step %scan3A_296  : i32 {
      %mul3A_301 = arith.constant 16 : i32
      %mul3A_302 = arith.muli %scan3A_300, %mul3A_301 : i32
      %broadcast_in_dim3A = arith.constant 0.000000e+00 : f32
      %broadcast_in_dim3A_303 = vector.broadcast %broadcast_in_dim3A : f32 to vector<16xf32>
      %broadcast_in_dim3A_304 = arith.constant 0.000000e+00 : f32
      %broadcast_in_dim3A_305 = vector.broadcast %broadcast_in_dim3A_304 : f32 to vector<16xf32>
      %broadcast_in_dim3A_306 = arith.constant 0.000000e+00 : f32
      %broadcast_in_dim3A_307 = vector.broadcast %broadcast_in_dim3A_306 : f32 to vector<16xf32>
      %broadcast_in_dim3A_308 = arith.constant 0.000000e+00 : f32
      %broadcast_in_dim3A_309 = vector.broadcast %broadcast_in_dim3A_308 : f32 to vector<16xf32>
      %get3A = arith.constant 0 : i32
      %get3A_310 = arith.index_cast %get3A : i32 to index
      %get3A_311 = arith.index_cast %mul3A_302 : i32 to index
      %get3A_312 = tpu.vector_load %arg20[%get3A_310, %get3A_311] {strides = array<i32>} : memref<15x128xi32, #tpu.memory_space<vmem>>, vector<16xi32>,
      %add3A_313 = arith.constant 0 : i32
      %add3A_314 = vector.broadcast %add3A_313 : i32 to vector<16xi32>
      %add3A_315 = arith.addi %get3A_312, %add3A_314 : vector<16xi32>
      %gather3A = tpu.vector_load_idx %arg22[%add3A_315] : memref<3200xf32, #tpu.memory_space<vmem>>[vector<16xi32>], vector<16xf32>,
      %add3A_316 = arith.addf %broadcast_in_dim3A_303, %gather3A : vector<16xf32>
      %get3A_317 = arith.constant 1 : i32
      %get3A_318 = arith.index_cast %get3A_317 : i32 to index
      %get3A_319 = arith.index_cast %mul3A_302 : i32 to index
      %get3A_320 = tpu.vector_load %arg20[%get3A_318, %get3A_319] {strides = array<i32>} : memref<15x128xi32, #tpu.memory_space<vmem>>, vector<16xi32>,
      %add3A_321 = arith.constant 256 : i32
      %add3A_322 = vector.broadcast %add3A_321 : i32 to vector<16xi32>
      %add3A_323 = arith.addi %get3A_320, %add3A_322 : vector<16xi32>
      %gather3A_324 = tpu.vector_load_idx %arg22[%add3A_323] : memref<3200xf32, #tpu.memory_space<vmem>>[vector<16xi32>], vector<16xf32>,
      %add3A_325 = arith.addf %broadcast_in_dim3A_305, %gather3A_324 : vector<16xf32>
      %get3A_326 = arith.constant 2 : i32
      %get3A_327 = arith.index_cast %get3A_326 : i32 to index
      %get3A_328 = arith.index_cast %mul3A_302 : i32 to index
      %get3A_329 = tpu.vector_load %arg20[%get3A_327, %get3A_328] {strides = array<i32>} : memref<15x128xi32, #tpu.memory_space<vmem>>, vector<16xi32>,
      %add3A_330 = arith.constant 512 : i32
      %add3A_331 = vector.broadcast %add3A_330 : i32 to vector<16xi32>
      %add3A_332 = arith.addi %get3A_329, %add3A_331 : vector<16xi32>
      %gather3A_333 = tpu.vector_load_idx %arg22[%add3A_332] : memref<3200xf32, #tpu.memory_space<vmem>>[vector<16xi32>], vector<16xf32>,
      %add3A_334 = arith.addf %broadcast_in_dim3A_307, %gather3A_333 : vector<16xf32>
      %get3A_335 = arith.constant 3 : i32
      %get3A_336 = arith.index_cast %get3A_335 : i32 to index
      %get3A_337 = arith.index_cast %mul3A_302 : i32 to index
      %get3A_338 = tpu.vector_load %arg20[%get3A_336, %get3A_337] {strides = array<i32>} : memref<15x128xi32, #tpu.memory_space<vmem>>, vector<16xi32>,
      %add3A_339 = arith.constant 768 : i32
      %add3A_340 = vector.broadcast %add3A_339 : i32 to vector<16xi32>
      %add3A_341 = arith.addi %get3A_338, %add3A_340 : vector<16xi32>
      %gather3A_342 = tpu.vector_load_idx %arg22[%add3A_341] : memref<3200xf32, #tpu.memory_space<vmem>>[vector<16xi32>], vector<16xf32>,
      %add3A_343 = arith.addf %broadcast_in_dim3A_309, %gather3A_342 : vector<16xf32>
      %get3A_344 = arith.constant 4 : i32
      %get3A_345 = arith.index_cast %get3A_344 : i32 to index
      %get3A_346 = arith.index_cast %mul3A_302 : i32 to index
      %get3A_347 = tpu.vector_load %arg20[%get3A_345, %get3A_346] {strides = array<i32>} : memref<15x128xi32, #tpu.memory_space<vmem>>, vector<16xi32>,
      %add3A_348 = arith.constant 896 : i32
      %add3A_349 = vector.broadcast %add3A_348 : i32 to vector<16xi32>
      %add3A_350 = arith.addi %get3A_347, %add3A_349 : vector<16xi32>
      %gather3A_351 = tpu.vector_load_idx %arg22[%add3A_350] : memref<3200xf32, #tpu.memory_space<vmem>>[vector<16xi32>], vector<16xf32>,
      %add3A_352 = arith.addf %add3A_316, %gather3A_351 : vector<16xf32>
      %get3A_353 = arith.constant 5 : i32
      %get3A_354 = arith.index_cast %get3A_353 : i32 to index
      %get3A_355 = arith.index_cast %mul3A_302 : i32 to index
      %get3A_356 = tpu.vector_load %arg20[%get3A_354, %get3A_355] {strides = array<i32>} : memref<15x128xi32, #tpu.memory_space<vmem>>, vector<16xi32>,
      %add3A_357 = arith.constant 1024 : i32
      %add3A_358 = vector.broadcast %add3A_357 : i32 to vector<16xi32>
      %add3A_359 = arith.addi %get3A_356, %add3A_358 : vector<16xi32>
      %gather3A_360 = tpu.vector_load_idx %arg22[%add3A_359] : memref<3200xf32, #tpu.memory_space<vmem>>[vector<16xi32>], vector<16xf32>,
      %add3A_361 = arith.addf %add3A_325, %gather3A_360 : vector<16xf32>
      %get3A_362 = arith.constant 6 : i32
      %get3A_363 = arith.index_cast %get3A_362 : i32 to index
      %get3A_364 = arith.index_cast %mul3A_302 : i32 to index
      %get3A_365 = tpu.vector_load %arg20[%get3A_363, %get3A_364] {strides = array<i32>} : memref<15x128xi32, #tpu.memory_space<vmem>>, vector<16xi32>,
      %add3A_366 = arith.constant 1152 : i32
      %add3A_367 = vector.broadcast %add3A_366 : i32 to vector<16xi32>
      %add3A_368 = arith.addi %get3A_365, %add3A_367 : vector<16xi32>
      %gather3A_369 = tpu.vector_load_idx %arg22[%add3A_368] : memref<3200xf32, #tpu.memory_space<vmem>>[vector<16xi32>], vector<16xf32>,
      %add3A_370 = arith.addf %add3A_334, %gather3A_369 : vector<16xf32>
      %get3A_371 = arith.constant 7 : i32
      %get3A_372 = arith.index_cast %get3A_371 : i32 to index
      %get3A_373 = arith.index_cast %mul3A_302 : i32 to index
      %get3A_374 = tpu.vector_load %arg20[%get3A_372, %get3A_373] {strides = array<i32>} : memref<15x128xi32, #tpu.memory_space<vmem>>, vector<16xi32>,
      %add3A_375 = arith.constant 1536 : i32
      %add3A_376 = vector.broadcast %add3A_375 : i32 to vector<16xi32>
      %add3A_377 = arith.addi %get3A_374, %add3A_376 : vector<16xi32>
      %gather3A_378 = tpu.vector_load_idx %arg22[%add3A_377] : memref<3200xf32, #tpu.memory_space<vmem>>[vector<16xi32>], vector<16xf32>,
      %add3A_379 = arith.addf %add3A_343, %gather3A_378 : vector<16xf32>
      %get3A_380 = arith.constant 8 : i32
      %get3A_381 = arith.index_cast %get3A_380 : i32 to index
      %get3A_382 = arith.index_cast %mul3A_302 : i32 to index
      %get3A_383 = tpu.vector_load %arg20[%get3A_381, %get3A_382] {strides = array<i32>} : memref<15x128xi32, #tpu.memory_space<vmem>>, vector<16xi32>,
      %add3A_384 = arith.constant 1664 : i32
      %add3A_385 = vector.broadcast %add3A_384 : i32 to vector<16xi32>
      %add3A_386 = arith.addi %get3A_383, %add3A_385 : vector<16xi32>
      %gather3A_387 = tpu.vector_load_idx %arg22[%add3A_386] : memref<3200xf32, #tpu.memory_space<vmem>>[vector<16xi32>], vector<16xf32>,
      %add3A_388 = arith.addf %add3A_352, %gather3A_387 : vector<16xf32>
      %get3A_389 = arith.constant 9 : i32
      %get3A_390 = arith.index_cast %get3A_389 : i32 to index
      %get3A_391 = arith.index_cast %mul3A_302 : i32 to index
      %get3A_392 = tpu.vector_load %arg20[%get3A_390, %get3A_391] {strides = array<i32>} : memref<15x128xi32, #tpu.memory_space<vmem>>, vector<16xi32>,
      %add3A_393 = arith.constant 1792 : i32
      %add3A_394 = vector.broadcast %add3A_393 : i32 to vector<16xi32>
      %add3A_395 = arith.addi %get3A_392, %add3A_394 : vector<16xi32>
      %gather3A_396 = tpu.vector_load_idx %arg22[%add3A_395] : memref<3200xf32, #tpu.memory_space<vmem>>[vector<16xi32>], vector<16xf32>,
      %add3A_397 = arith.addf %add3A_361, %gather3A_396 : vector<16xf32>
      %get3A_398 = arith.constant 10 : i32
      %get3A_399 = arith.index_cast %get3A_398 : i32 to index
      %get3A_400 = arith.index_cast %mul3A_302 : i32 to index
      %get3A_401 = tpu.vector_load %arg20[%get3A_399, %get3A_400] {strides = array<i32>} : memref<15x128xi32, #tpu.memory_space<vmem>>, vector<16xi32>,
      %add3A_402 = arith.constant 1920 : i32
      %add3A_403 = vector.broadcast %add3A_402 : i32 to vector<16xi32>
      %add3A_404 = arith.addi %get3A_401, %add3A_403 : vector<16xi32>
      %gather3A_405 = tpu.vector_load_idx %arg22[%add3A_404] : memref<3200xf32, #tpu.memory_space<vmem>>[vector<16xi32>], vector<16xf32>,
      %add3A_406 = arith.addf %add3A_370, %gather3A_405 : vector<16xf32>
      %get3A_407 = arith.constant 11 : i32
      %get3A_408 = arith.index_cast %get3A_407 : i32 to index
      %get3A_409 = arith.index_cast %mul3A_302 : i32 to index
      %get3A_410 = tpu.vector_load %arg20[%get3A_408, %get3A_409] {strides = array<i32>} : memref<15x128xi32, #tpu.memory_space<vmem>>, vector<16xi32>,
      %add3A_411 = arith.constant 2048 : i32
      %add3A_412 = vector.broadcast %add3A_411 : i32 to vector<16xi32>
      %add3A_413 = arith.addi %get3A_410, %add3A_412 : vector<16xi32>
      %gather3A_414 = tpu.vector_load_idx %arg22[%add3A_413] : memref<3200xf32, #tpu.memory_space<vmem>>[vector<16xi32>], vector<16xf32>,
      %add3A_415 = arith.addf %add3A_379, %gather3A_414 : vector<16xf32>
      %get3A_416 = arith.constant 12 : i32
      %get3A_417 = arith.index_cast %get3A_416 : i32 to index
      %get3A_418 = arith.index_cast %mul3A_302 : i32 to index
      %get3A_419 = tpu.vector_load %arg20[%get3A_417, %get3A_418] {strides = array<i32>} : memref<15x128xi32, #tpu.memory_space<vmem>>, vector<16xi32>,
      %add3A_420 = arith.constant 2432 : i32
      %add3A_421 = vector.broadcast %add3A_420 : i32 to vector<16xi32>
      %add3A_422 = arith.addi %get3A_419, %add3A_421 : vector<16xi32>
      %gather3A_423 = tpu.vector_load_idx %arg22[%add3A_422] : memref<3200xf32, #tpu.memory_space<vmem>>[vector<16xi32>], vector<16xf32>,
      %add3A_424 = arith.addf %add3A_388, %gather3A_423 : vector<16xf32>
      %get3A_425 = arith.constant 13 : i32
      %get3A_426 = arith.index_cast %get3A_425 : i32 to index
      %get3A_427 = arith.index_cast %mul3A_302 : i32 to index
      %get3A_428 = tpu.vector_load %arg20[%get3A_426, %get3A_427] {strides = array<i32>} : memref<15x128xi32, #tpu.memory_space<vmem>>, vector<16xi32>,
      %add3A_429 = arith.constant 2560 : i32
      %add3A_430 = vector.broadcast %add3A_429 : i32 to vector<16xi32>
      %add3A_431 = arith.addi %get3A_428, %add3A_430 : vector<16xi32>
      %gather3A_432 = tpu.vector_load_idx %arg22[%add3A_431] : memref<3200xf32, #tpu.memory_space<vmem>>[vector<16xi32>], vector<16xf32>,
      %add3A_433 = arith.addf %add3A_397, %gather3A_432 : vector<16xf32>
      %get3A_434 = arith.constant 14 : i32
      %get3A_435 = arith.index_cast %get3A_434 : i32 to index
      %get3A_436 = arith.index_cast %mul3A_302 : i32 to index
      %get3A_437 = tpu.vector_load %arg20[%get3A_435, %get3A_436] {strides = array<i32>} : memref<15x128xi32, #tpu.memory_space<vmem>>, vector<16xi32>,
      %add3A_438 = arith.constant 2688 : i32
      %add3A_439 = vector.broadcast %add3A_438 : i32 to vector<16xi32>
      %add3A_440 = arith.addi %get3A_437, %add3A_439 : vector<16xi32>
      %gather3A_441 = tpu.vector_load_idx %arg22[%add3A_440] : memref<3200xf32, #tpu.memory_space<vmem>>[vector<16xi32>], vector<16xf32>,
      %add3A_442 = arith.addf %add3A_406, %gather3A_441 : vector<16xf32>
      %get3A_443 = arith.constant 0 : i32
      %get3A_444 = arith.index_cast %get3A_443 : i32 to index
      %get3A_445 = arith.index_cast %mul3A_302 : i32 to index
      %get3A_446 = tpu.vector_load %arg21[%get3A_444, %get3A_445] {strides = array<i32>} : memref<20x128xi32, #tpu.memory_space<vmem>>, vector<16xi32>,
      %add3A_447 = arith.constant 3072 : i32
      %add3A_448 = vector.broadcast %add3A_447 : i32 to vector<16xi32>
      %add3A_449 = arith.addi %get3A_446, %add3A_448 : vector<16xi32>
      %gather3A_450 = tpu.vector_load_idx %arg22[%add3A_449] : memref<3200xf32, #tpu.memory_space<vmem>>[vector<16xi32>], vector<16xf32>,
      %add3A_451 = arith.addf %add3A_415, %gather3A_450 : vector<16xf32>
      %get3A_452 = arith.constant 1 : i32
      %get3A_453 = arith.index_cast %get3A_452 : i32 to index
      %get3A_454 = arith.index_cast %mul3A_302 : i32 to index
      %get3A_455 = tpu.vector_load %arg21[%get3A_453, %get3A_454] {strides = array<i32>} : memref<20x128xi32, #tpu.memory_space<vmem>>, vector<16xi32>,
      %add3A_456 = arith.constant 3072 : i32
      %add3A_457 = vector.broadcast %add3A_456 : i32 to vector<16xi32>
      %add3A_458 = arith.addi %get3A_455, %add3A_457 : vector<16xi32>
      %gather3A_459 = tpu.vector_load_idx %arg22[%add3A_458] : memref<3200xf32, #tpu.memory_space<vmem>>[vector<16xi32>], vector<16xf32>,
      %add3A_460 = arith.addf %add3A_424, %gather3A_459 : vector<16xf32>
      %get3A_461 = arith.constant 2 : i32
      %get3A_462 = arith.index_cast %get3A_461 : i32 to index
      %get3A_463 = arith.index_cast %mul3A_302 : i32 to index
      %get3A_464 = tpu.vector_load %arg21[%get3A_462, %get3A_463] {strides = array<i32>} : memref<20x128xi32, #tpu.memory_space<vmem>>, vector<16xi32>,
      %add3A_465 = arith.constant 3072 : i32
      %add3A_466 = vector.broadcast %add3A_465 : i32 to vector<16xi32>
      %add3A_467 = arith.addi %get3A_464, %add3A_466 : vector<16xi32>
      %gather3A_468 = tpu.vector_load_idx %arg22[%add3A_467] : memref<3200xf32, #tpu.memory_space<vmem>>[vector<16xi32>], vector<16xf32>,
      %add3A_469 = arith.addf %add3A_433, %gather3A_468 : vector<16xf32>
      %get3A_470 = arith.constant 3 : i32
      %get3A_471 = arith.index_cast %get3A_470 : i32 to index
      %get3A_472 = arith.index_cast %mul3A_302 : i32 to index
      %get3A_473 = tpu.vector_load %arg21[%get3A_471, %get3A_472] {strides = array<i32>} : memref<20x128xi32, #tpu.memory_space<vmem>>, vector<16xi32>,
      %add3A_474 = arith.constant 3072 : i32
      %add3A_475 = vector.broadcast %add3A_474 : i32 to vector<16xi32>
      %add3A_476 = arith.addi %get3A_473, %add3A_475 : vector<16xi32>
      %gather3A_477 = tpu.vector_load_idx %arg22[%add3A_476] : memref<3200xf32, #tpu.memory_space<vmem>>[vector<16xi32>], vector<16xf32>,
      %add3A_478 = arith.addf %add3A_442, %gather3A_477 : vector<16xf32>
      %get3A_479 = arith.constant 4 : i32
      %get3A_480 = arith.index_cast %get3A_479 : i32 to index
      %get3A_481 = arith.index_cast %mul3A_302 : i32 to index
      %get3A_482 = tpu.vector_load %arg21[%get3A_480, %get3A_481] {strides = array<i32>} : memref<20x128xi32, #tpu.memory_space<vmem>>, vector<16xi32>,
      %add3A_483 = arith.constant 3072 : i32
      %add3A_484 = vector.broadcast %add3A_483 : i32 to vector<16xi32>
      %add3A_485 = arith.addi %get3A_482, %add3A_484 : vector<16xi32>
      %gather3A_486 = tpu.vector_load_idx %arg22[%add3A_485] : memref<3200xf32, #tpu.memory_space<vmem>>[vector<16xi32>], vector<16xf32>,
      %add3A_487 = arith.addf %add3A_451, %gather3A_486 : vector<16xf32>
      %get3A_488 = arith.constant 5 : i32
      %get3A_489 = arith.index_cast %get3A_488 : i32 to index
      %get3A_490 = arith.index_cast %mul3A_302 : i32 to index
      %get3A_491 = tpu.vector_load %arg21[%get3A_489, %get3A_490] {strides = array<i32>} : memref<20x128xi32, #tpu.memory_space<vmem>>, vector<16xi32>,
      %add3A_492 = arith.constant 3072 : i32
      %add3A_493 = vector.broadcast %add3A_492 : i32 to vector<16xi32>
      %add3A_494 = arith.addi %get3A_491, %add3A_493 : vector<16xi32>
      %gather3A_495 = tpu.vector_load_idx %arg22[%add3A_494] : memref<3200xf32, #tpu.memory_space<vmem>>[vector<16xi32>], vector<16xf32>,
      %add3A_496 = arith.addf %add3A_460, %gather3A_495 : vector<16xf32>
      %get3A_497 = arith.constant 6 : i32
      %get3A_498 = arith.index_cast %get3A_497 : i32 to index
      %get3A_499 = arith.index_cast %mul3A_302 : i32 to index
      %get3A_500 = tpu.vector_load %arg21[%get3A_498, %get3A_499] {strides = array<i32>} : memref<20x128xi32, #tpu.memory_space<vmem>>, vector<16xi32>,
      %add3A_501 = arith.constant 3072 : i32
      %add3A_502 = vector.broadcast %add3A_501 : i32 to vector<16xi32>
      %add3A_503 = arith.addi %get3A_500, %add3A_502 : vector<16xi32>
      %gather3A_504 = tpu.vector_load_idx %arg22[%add3A_503] : memref<3200xf32, #tpu.memory_space<vmem>>[vector<16xi32>], vector<16xf32>,
      %add3A_505 = arith.addf %add3A_469, %gather3A_504 : vector<16xf32>
      %get3A_506 = arith.constant 7 : i32
      %get3A_507 = arith.index_cast %get3A_506 : i32 to index
      %get3A_508 = arith.index_cast %mul3A_302 : i32 to index
      %get3A_509 = tpu.vector_load %arg21[%get3A_507, %get3A_508] {strides = array<i32>} : memref<20x128xi32, #tpu.memory_space<vmem>>, vector<16xi32>,
      %add3A_510 = arith.constant 3072 : i32
      %add3A_511 = vector.broadcast %add3A_510 : i32 to vector<16xi32>
      %add3A_512 = arith.addi %get3A_509, %add3A_511 : vector<16xi32>
      %gather3A_513 = tpu.vector_load_idx %arg22[%add3A_512] : memref<3200xf32, #tpu.memory_space<vmem>>[vector<16xi32>], vector<16xf32>,
      %add3A_514 = arith.addf %add3A_478, %gather3A_513 : vector<16xf32>
      %get3A_515 = arith.constant 8 : i32
      %get3A_516 = arith.index_cast %get3A_515 : i32 to index
      %get3A_517 = arith.index_cast %mul3A_302 : i32 to index
      %get3A_518 = tpu.vector_load %arg21[%get3A_516, %get3A_517] {strides = array<i32>} : memref<20x128xi32, #tpu.memory_space<vmem>>, vector<16xi32>,
      %add3A_519 = arith.constant 3072 : i32
      %add3A_520 = vector.broadcast %add3A_519 : i32 to vector<16xi32>
      %add3A_521 = arith.addi %get3A_518, %add3A_520 : vector<16xi32>
      %gather3A_522 = tpu.vector_load_idx %arg22[%add3A_521] : memref<3200xf32, #tpu.memory_space<vmem>>[vector<16xi32>], vector<16xf32>,
      %add3A_523 = arith.addf %add3A_487, %gather3A_522 : vector<16xf32>
      %get3A_524 = arith.constant 9 : i32
      %get3A_525 = arith.index_cast %get3A_524 : i32 to index
      %get3A_526 = arith.index_cast %mul3A_302 : i32 to index
      %get3A_527 = tpu.vector_load %arg21[%get3A_525, %get3A_526] {strides = array<i32>} : memref<20x128xi32, #tpu.memory_space<vmem>>, vector<16xi32>,
      %add3A_528 = arith.constant 3072 : i32
      %add3A_529 = vector.broadcast %add3A_528 : i32 to vector<16xi32>
      %add3A_530 = arith.addi %get3A_527, %add3A_529 : vector<16xi32>
      %gather3A_531 = tpu.vector_load_idx %arg22[%add3A_530] : memref<3200xf32, #tpu.memory_space<vmem>>[vector<16xi32>], vector<16xf32>,
      %add3A_532 = arith.addf %add3A_496, %gather3A_531 : vector<16xf32>
      %get3A_533 = arith.constant 10 : i32
      %get3A_534 = arith.index_cast %get3A_533 : i32 to index
      %get3A_535 = arith.index_cast %mul3A_302 : i32 to index
      %get3A_536 = tpu.vector_load %arg21[%get3A_534, %get3A_535] {strides = array<i32>} : memref<20x128xi32, #tpu.memory_space<vmem>>, vector<16xi32>,
      %add3A_537 = arith.constant 3072 : i32
      %add3A_538 = vector.broadcast %add3A_537 : i32 to vector<16xi32>
      %add3A_539 = arith.addi %get3A_536, %add3A_538 : vector<16xi32>
      %gather3A_540 = tpu.vector_load_idx %arg22[%add3A_539] : memref<3200xf32, #tpu.memory_space<vmem>>[vector<16xi32>], vector<16xf32>,
      %add3A_541 = arith.addf %add3A_505, %gather3A_540 : vector<16xf32>
      %get3A_542 = arith.constant 11 : i32
      %get3A_543 = arith.index_cast %get3A_542 : i32 to index
      %get3A_544 = arith.index_cast %mul3A_302 : i32 to index
      %get3A_545 = tpu.vector_load %arg21[%get3A_543, %get3A_544] {strides = array<i32>} : memref<20x128xi32, #tpu.memory_space<vmem>>, vector<16xi32>,
      %add3A_546 = arith.constant 3072 : i32
      %add3A_547 = vector.broadcast %add3A_546 : i32 to vector<16xi32>
      %add3A_548 = arith.addi %get3A_545, %add3A_547 : vector<16xi32>
      %gather3A_549 = tpu.vector_load_idx %arg22[%add3A_548] : memref<3200xf32, #tpu.memory_space<vmem>>[vector<16xi32>], vector<16xf32>,
      %add3A_550 = arith.addf %add3A_514, %gather3A_549 : vector<16xf32>
      %get3A_551 = arith.constant 12 : i32
      %get3A_552 = arith.index_cast %get3A_551 : i32 to index
      %get3A_553 = arith.index_cast %mul3A_302 : i32 to index
      %get3A_554 = tpu.vector_load %arg21[%get3A_552, %get3A_553] {strides = array<i32>} : memref<20x128xi32, #tpu.memory_space<vmem>>, vector<16xi32>,
      %add3A_555 = arith.constant 3072 : i32
      %add3A_556 = vector.broadcast %add3A_555 : i32 to vector<16xi32>
      %add3A_557 = arith.addi %get3A_554, %add3A_556 : vector<16xi32>
      %gather3A_558 = tpu.vector_load_idx %arg22[%add3A_557] : memref<3200xf32, #tpu.memory_space<vmem>>[vector<16xi32>], vector<16xf32>,
      %add3A_559 = arith.addf %add3A_523, %gather3A_558 : vector<16xf32>
      %get3A_560 = arith.constant 13 : i32
      %get3A_561 = arith.index_cast %get3A_560 : i32 to index
      %get3A_562 = arith.index_cast %mul3A_302 : i32 to index
      %get3A_563 = tpu.vector_load %arg21[%get3A_561, %get3A_562] {strides = array<i32>} : memref<20x128xi32, #tpu.memory_space<vmem>>, vector<16xi32>,
      %add3A_564 = arith.constant 3072 : i32
      %add3A_565 = vector.broadcast %add3A_564 : i32 to vector<16xi32>
      %add3A_566 = arith.addi %get3A_563, %add3A_565 : vector<16xi32>
      %gather3A_567 = tpu.vector_load_idx %arg22[%add3A_566] : memref<3200xf32, #tpu.memory_space<vmem>>[vector<16xi32>], vector<16xf32>,
      %add3A_568 = arith.addf %add3A_532, %gather3A_567 : vector<16xf32>
      %get3A_569 = arith.constant 14 : i32
      %get3A_570 = arith.index_cast %get3A_569 : i32 to index
      %get3A_571 = arith.index_cast %mul3A_302 : i32 to index
      %get3A_572 = tpu.vector_load %arg21[%get3A_570, %get3A_571] {strides = array<i32>} : memref<20x128xi32, #tpu.memory_space<vmem>>, vector<16xi32>,
      %add3A_573 = arith.constant 3072 : i32
      %add3A_574 = vector.broadcast %add3A_573 : i32 to vector<16xi32>
      %add3A_575 = arith.addi %get3A_572, %add3A_574 : vector<16xi32>
      %gather3A_576 = tpu.vector_load_idx %arg22[%add3A_575] : memref<3200xf32, #tpu.memory_space<vmem>>[vector<16xi32>], vector<16xf32>,
      %add3A_577 = arith.addf %add3A_541, %gather3A_576 : vector<16xf32>
      %get3A_578 = arith.constant 15 : i32
      %get3A_579 = arith.index_cast %get3A_578 : i32 to index
      %get3A_580 = arith.index_cast %mul3A_302 : i32 to index
      %get3A_581 = tpu.vector_load %arg21[%get3A_579, %get3A_580] {strides = array<i32>} : memref<20x128xi32, #tpu.memory_space<vmem>>, vector<16xi32>,
      %add3A_582 = arith.constant 3072 : i32
      %add3A_583 = vector.broadcast %add3A_582 : i32 to vector<16xi32>
      %add3A_584 = arith.addi %get3A_581, %add3A_583 : vector<16xi32>
      %gather3A_585 = tpu.vector_load_idx %arg22[%add3A_584] : memref<3200xf32, #tpu.memory_space<vmem>>[vector<16xi32>], vector<16xf32>,
      %add3A_586 = arith.addf %add3A_550, %gather3A_585 : vector<16xf32>
      %get3A_587 = arith.constant 16 : i32
      %get3A_588 = arith.index_cast %get3A_587 : i32 to index
      %get3A_589 = arith.index_cast %mul3A_302 : i32 to index
      %get3A_590 = tpu.vector_load %arg21[%get3A_588, %get3A_589] {strides = array<i32>} : memref<20x128xi32, #tpu.memory_space<vmem>>, vector<16xi32>,
      %add3A_591 = arith.constant 3072 : i32
      %add3A_592 = vector.broadcast %add3A_591 : i32 to vector<16xi32>
      %add3A_593 = arith.addi %get3A_590, %add3A_592 : vector<16xi32>
      %gather3A_594 = tpu.vector_load_idx %arg22[%add3A_593] : memref<3200xf32, #tpu.memory_space<vmem>>[vector<16xi32>], vector<16xf32>,
      %add3A_595 = arith.addf %add3A_559, %gather3A_594 : vector<16xf32>
      %get3A_596 = arith.constant 17 : i32
      %get3A_597 = arith.index_cast %get3A_596 : i32 to index
      %get3A_598 = arith.index_cast %mul3A_302 : i32 to index
      %get3A_599 = tpu.vector_load %arg21[%get3A_597, %get3A_598] {strides = array<i32>} : memref<20x128xi32, #tpu.memory_space<vmem>>, vector<16xi32>,
      %add3A_600 = arith.constant 3072 : i32
      %add3A_601 = vector.broadcast %add3A_600 : i32 to vector<16xi32>
      %add3A_602 = arith.addi %get3A_599, %add3A_601 : vector<16xi32>
      %gather3A_603 = tpu.vector_load_idx %arg22[%add3A_602] : memref<3200xf32, #tpu.memory_space<vmem>>[vector<16xi32>], vector<16xf32>,
      %add3A_604 = arith.addf %add3A_568, %gather3A_603 : vector<16xf32>
      %get3A_605 = arith.constant 18 : i32
      %get3A_606 = arith.index_cast %get3A_605 : i32 to index
      %get3A_607 = arith.index_cast %mul3A_302 : i32 to index
      %get3A_608 = tpu.vector_load %arg21[%get3A_606, %get3A_607] {strides = array<i32>} : memref<20x128xi32, #tpu.memory_space<vmem>>, vector<16xi32>,
      %add3A_609 = arith.constant 3072 : i32
      %add3A_610 = vector.broadcast %add3A_609 : i32 to vector<16xi32>
      %add3A_611 = arith.addi %get3A_608, %add3A_610 : vector<16xi32>
      %gather3A_612 = tpu.vector_load_idx %arg22[%add3A_611] : memref<3200xf32, #tpu.memory_space<vmem>>[vector<16xi32>], vector<16xf32>,
      %add3A_613 = arith.addf %add3A_577, %gather3A_612 : vector<16xf32>
      %get3A_614 = arith.constant 19 : i32
      %get3A_615 = arith.index_cast %get3A_614 : i32 to index
      %get3A_616 = arith.index_cast %mul3A_302 : i32 to index
      %get3A_617 = tpu.vector_load %arg21[%get3A_615, %get3A_616] {strides = array<i32>} : memref<20x128xi32, #tpu.memory_space<vmem>>, vector<16xi32>,
      %add3A_618 = arith.constant 3072 : i32
      %add3A_619 = vector.broadcast %add3A_618 : i32 to vector<16xi32>
      %add3A_620 = arith.addi %get3A_617, %add3A_619 : vector<16xi32>
      %gather3A_621 = tpu.vector_load_idx %arg22[%add3A_620] : memref<3200xf32, #tpu.memory_space<vmem>>[vector<16xi32>], vector<16xf32>,
      %add3A_622 = arith.addf %add3A_586, %gather3A_621 : vector<16xf32>
      %add3A_623 = arith.addf %add3A_604, %add3A_613 : vector<16xf32>
      %add3A_624 = arith.addf %add3A_622, %add3A_595 : vector<16xf32>
      %add3A_625 = arith.addf %add3A_623, %add3A_624 : vector<16xf32>
      %abs3A = math.absf %add3A_625 : vector<16xf32>
      %neg3A = arith.constant 0.000000e+00 : f32
      %neg3A_626 = vector.broadcast %neg3A : f32 to vector<16xf32>
      %neg3A_627 = arith.subf %neg3A_626, %abs3A : vector<16xf32>
      %exp3A = math.exp %neg3A_627 : vector<16xf32>
      %add3A_628 = arith.constant 2.000000e+00 : f32
      %add3A_629 = vector.broadcast %add3A_628 : f32 to vector<16xf32>
      %add3A_630 = arith.addf %exp3A, %add3A_629 : vector<16xf32>
      %div3A = arith.divf %exp3A, %add3A_630 : vector<16xf32>
      %mul3A_631 = arith.mulf %div3A, %div3A : vector<16xf32>
      %mul3A_632 = arith.constant 2.000000e+00 : f32
      %mul3A_633 = vector.broadcast %mul3A_632 : f32 to vector<16xf32>
      %mul3A_634 = arith.mulf %mul3A_633, %div3A : vector<16xf32>
      %mul3A_635 = arith.constant 0.111111112 : f32
      %mul3A_636 = vector.broadcast %mul3A_635 : f32 to vector<16xf32>
      %mul3A_637 = arith.mulf %mul3A_631, %mul3A_636 : vector<16xf32>
      %add3A_638 = arith.constant 0.142857149 : f32
      %add3A_639 = vector.broadcast %add3A_638 : f32 to vector<16xf32>
      %add3A_640 = arith.addf %add3A_639, %mul3A_637 : vector<16xf32>
      %mul3A_641 = arith.mulf %mul3A_631, %add3A_640 : vector<16xf32>
      %add3A_642 = arith.constant 2.000000e-01 : f32
      %add3A_643 = vector.broadcast %add3A_642 : f32 to vector<16xf32>
      %add3A_644 = arith.addf %add3A_643, %mul3A_641 : vector<16xf32>
      %mul3A_645 = arith.mulf %mul3A_631, %add3A_644 : vector<16xf32>
      %add3A_646 = arith.constant 0.333333343 : f32
      %add3A_647 = vector.broadcast %add3A_646 : f32 to vector<16xf32>
      %add3A_648 = arith.addf %add3A_647, %mul3A_645 : vector<16xf32>
      %mul3A_649 = arith.mulf %mul3A_631, %add3A_648 : vector<16xf32>
      %add3A_650 = arith.constant 1.000000e+00 : f32
      %add3A_651 = vector.broadcast %add3A_650 : f32 to vector<16xf32>
      %add3A_652 = arith.addf %add3A_651, %mul3A_649 : vector<16xf32>
      %mul3A_653 = arith.mulf %mul3A_634, %add3A_652 : vector<16xf32>
      %broadcast_in_dim3A_654 = arith.constant 0.000000e+00 : f32
      %broadcast_in_dim3A_655 = vector.broadcast %broadcast_in_dim3A_654 : f32 to vector<16xf32>
      %max3A = arith.maximumf %add3A_625, %broadcast_in_dim3A_655 : vector<16xf32>
      %add3A_656 = arith.addf %max3A, %mul3A_653 : vector<16xf32>
      %neg3A_657 = arith.constant 0.000000e+00 : f32
      %neg3A_658 = vector.broadcast %neg3A_657 : f32 to vector<16xf32>
      %neg3A_659 = arith.subf %neg3A_658, %add3A_656 : vector<16xf32>
      %swap3A = arith.constant 0 : i32
      %swap3A_660 = arith.index_cast %swap3A : i32 to index
      %swap3A_661 = arith.index_cast %mul3A_302 : i32 to index
      %swap3A_662 = tpu.vector_load %arg23[%swap3A_660, %swap3A_661] {strides = array<i32>} : memref<2x128xf32, #tpu.memory_space<vmem>>, vector<16xf32>,
      tpu.vector_store %arg23[%swap3A_660, %swap3A_661], %neg3A_659 {strides = array<i32>} : memref<2x128xf32, #tpu.memory_space<vmem>>, vector<16xf32>,
      %neg3A_663 = arith.constant 0.000000e+00 : f32
      %neg3A_664 = vector.broadcast %neg3A_663 : f32 to vector<16xf32>
      %neg3A_665 = arith.subf %neg3A_664, %add3A_625 : vector<16xf32>
      %max3A_666 = arith.maximumf %neg3A_665, %broadcast_in_dim3A_655 : vector<16xf32>
      %add3A_667 = arith.addf %max3A_666, %mul3A_653 : vector<16xf32>
      %neg3A_668 = arith.constant 0.000000e+00 : f32
      %neg3A_669 = vector.broadcast %neg3A_668 : f32 to vector<16xf32>
      %neg3A_670 = arith.subf %neg3A_669, %add3A_667 : vector<16xf32>
      %swap3A_671 = arith.constant 1 : i32
      %swap3A_672 = arith.index_cast %swap3A_671 : i32 to index
      %swap3A_673 = arith.index_cast %mul3A_302 : i32 to index
      %swap3A_674 = tpu.vector_load %arg23[%swap3A_672, %swap3A_673] {strides = array<i32>} : memref<2x128xf32, #tpu.memory_space<vmem>>, vector<16xf32>,
      tpu.vector_store %arg23[%swap3A_672, %swap3A_673], %neg3A_670 {strides = array<i32>} : memref<2x128xf32, #tpu.memory_space<vmem>>, vector<16xf32>,
    }
    %scan3A_297 = arith.constant 8 : i32
    %mul3A_298 = arith.constant 2 : i32
    %mul3A_299 = arith.muli %mul3A_298, %add3A : i32
    "tpu.region"() ({
      %run_scoped3A = tpu.sem_alloc : memref<!tpu.dma_semaphore, #tpu.memory_space<semaphore_mem>>
      %dma_start3A_300 = arith.constant 0 : i32
      %dma_start3A_301 = tpu.memref_slice %arg19[%mul3A_299, %dma_start3A_300] : memref<64x128xf32, #tpu.memory_space<hbm>> -> memref<2x128xf32, #tpu.memory_space<hbm>>
      %dma_start3A_302 = arith.constant 0 : i32
      %dma_start3A_303 = tpu.memref_slice %arg19[%mul3A_299, %dma_start3A_302] : memref<64x128xf32, #tpu.memory_space<hbm>> -> memref<2x128xf32, #tpu.memory_space<hbm>>
      tpu.enqueue_dma source(%arg23 : memref<2x128xf32, #tpu.memory_space<vmem>>) target(%dma_start3A_303 : memref<2x128xf32, #tpu.memory_space<hbm>>) target_semaphore(%run_scoped3A : memref<!tpu.dma_semaphore, #tpu.memory_space<semaphore_mem>>)
      %dma_wait3A_304 = arith.constant 0 : i32
      %dma_wait3A_305 = tpu.memref_slice %arg19[%mul3A_299, %dma_wait3A_304] : memref<64x128xf32, #tpu.memory_space<hbm>> -> memref<2x128xf32, #tpu.memory_space<hbm>>
      %dma_wait3A_306 = arith.constant 0 : i32
      %dma_wait3A_307 = tpu.memref_slice %arg19[%mul3A_299, %dma_wait3A_306] : memref<64x128xf32, #tpu.memory_space<hbm>> -> memref<2x128xf32, #tpu.memory_space<hbm>>
      tpu.wait_dma2 semaphore(%run_scoped3A : memref<!tpu.dma_semaphore, #tpu.memory_space<semaphore_mem>>) src(%arg23 : memref<2x128xf32, #tpu.memory_space<vmem>>) dst(%dma_wait3A_307 : memref<2x128xf32, #tpu.memory_space<hbm>>)
      tpu.yield
    }) : () -> ()
    return
  }
}

module attributes {stable_mosaic.version = 14 : i64} {
  func.func @_fuse_tables_body(%arg0: memref<2x89xf32, #tpu.memory_space<hbm>>, %arg1: memref<1x2xf32, #tpu.memory_space<hbm>>, %arg2: memref<8x256xf32, #tpu.memory_space<hbm>>, %arg3: memref<8x256xf32, #tpu.memory_space<hbm>>, %arg4: memref<8x256xf32, #tpu.memory_space<hbm>>, %arg5: memref<1x2xf32, #tpu.memory_space<hbm>>, %arg6: memref<1x2xf32, #tpu.memory_space<hbm>>, %arg7: memref<6x35xf32, #tpu.memory_space<hbm>>, %arg8: memref<9x370xf32, #tpu.memory_space<hbm>>, %arg9: memref<4x9xf32, #tpu.memory_space<hbm>>, %arg10: memref<5x21xf32, #tpu.memory_space<hbm>>, %arg11: memref<4x14xf32, #tpu.memory_space<hbm>>, %arg12: memref<3x7xf32, #tpu.memory_space<hbm>>, %arg13: memref<9x275xf32, #tpu.memory_space<hbm>>, %arg14: memref<6x57xf32, #tpu.memory_space<hbm>>, %arg15: memref<1x2xf32, #tpu.memory_space<hbm>>, %arg16: memref<9x295xf32, #tpu.memory_space<hbm>>, %arg17: memref<7x69xf32, #tpu.memory_space<hbm>>, %arg18: memref<8x3200xf32, #tpu.memory_space<hbm>>, %arg19: memref<2x89xf32, #tpu.memory_space<vmem>>, %arg20: memref<1x2xf32, #tpu.memory_space<vmem>>, %arg21: memref<8x256xf32, #tpu.memory_space<vmem>>, %arg22: memref<8x256xf32, #tpu.memory_space<vmem>>, %arg23: memref<8x256xf32, #tpu.memory_space<vmem>>, %arg24: memref<1x2xf32, #tpu.memory_space<vmem>>, %arg25: memref<1x2xf32, #tpu.memory_space<vmem>>, %arg26: memref<6x35xf32, #tpu.memory_space<vmem>>, %arg27: memref<9x370xf32, #tpu.memory_space<vmem>>, %arg28: memref<4x9xf32, #tpu.memory_space<vmem>>, %arg29: memref<5x21xf32, #tpu.memory_space<vmem>>, %arg30: memref<4x14xf32, #tpu.memory_space<vmem>>, %arg31: memref<3x7xf32, #tpu.memory_space<vmem>>, %arg32: memref<9x275xf32, #tpu.memory_space<vmem>>, %arg33: memref<6x57xf32, #tpu.memory_space<vmem>>, %arg34: memref<1x2xf32, #tpu.memory_space<vmem>>, %arg35: memref<9x295xf32, #tpu.memory_space<vmem>>, %arg36: memref<7x69xf32, #tpu.memory_space<vmem>>, %arg37: memref<8x3200xf32, #tpu.memory_space<vmem>>, %arg38: memref<!tpu.dma_semaphore, #tpu.memory_space<semaphore_mem>>) attributes {dimension_semantics = [], scalar_prefetch = 0 : i64, scratch_operands = 20 : i64, tpu.core_type = #tpu.core_type<tc>} {
    tpu.enqueue_dma source(%arg0 : memref<2x89xf32, #tpu.memory_space<hbm>>) target(%arg19 : memref<2x89xf32, #tpu.memory_space<vmem>>) target_semaphore(%arg38 : memref<!tpu.dma_semaphore, #tpu.memory_space<semaphore_mem>>)
    tpu.enqueue_dma source(%arg1 : memref<1x2xf32, #tpu.memory_space<hbm>>) target(%arg20 : memref<1x2xf32, #tpu.memory_space<vmem>>) target_semaphore(%arg38 : memref<!tpu.dma_semaphore, #tpu.memory_space<semaphore_mem>>)
    tpu.enqueue_dma source(%arg2 : memref<8x256xf32, #tpu.memory_space<hbm>>) target(%arg21 : memref<8x256xf32, #tpu.memory_space<vmem>>) target_semaphore(%arg38 : memref<!tpu.dma_semaphore, #tpu.memory_space<semaphore_mem>>)
    tpu.enqueue_dma source(%arg3 : memref<8x256xf32, #tpu.memory_space<hbm>>) target(%arg22 : memref<8x256xf32, #tpu.memory_space<vmem>>) target_semaphore(%arg38 : memref<!tpu.dma_semaphore, #tpu.memory_space<semaphore_mem>>)
    tpu.enqueue_dma source(%arg4 : memref<8x256xf32, #tpu.memory_space<hbm>>) target(%arg23 : memref<8x256xf32, #tpu.memory_space<vmem>>) target_semaphore(%arg38 : memref<!tpu.dma_semaphore, #tpu.memory_space<semaphore_mem>>)
    tpu.enqueue_dma source(%arg5 : memref<1x2xf32, #tpu.memory_space<hbm>>) target(%arg24 : memref<1x2xf32, #tpu.memory_space<vmem>>) target_semaphore(%arg38 : memref<!tpu.dma_semaphore, #tpu.memory_space<semaphore_mem>>)
    tpu.enqueue_dma source(%arg6 : memref<1x2xf32, #tpu.memory_space<hbm>>) target(%arg25 : memref<1x2xf32, #tpu.memory_space<vmem>>) target_semaphore(%arg38 : memref<!tpu.dma_semaphore, #tpu.memory_space<semaphore_mem>>)
    tpu.enqueue_dma source(%arg7 : memref<6x35xf32, #tpu.memory_space<hbm>>) target(%arg26 : memref<6x35xf32, #tpu.memory_space<vmem>>) target_semaphore(%arg38 : memref<!tpu.dma_semaphore, #tpu.memory_space<semaphore_mem>>)
    tpu.enqueue_dma source(%arg8 : memref<9x370xf32, #tpu.memory_space<hbm>>) target(%arg27 : memref<9x370xf32, #tpu.memory_space<vmem>>) target_semaphore(%arg38 : memref<!tpu.dma_semaphore, #tpu.memory_space<semaphore_mem>>)
    tpu.enqueue_dma source(%arg9 : memref<4x9xf32, #tpu.memory_space<hbm>>) target(%arg28 : memref<4x9xf32, #tpu.memory_space<vmem>>) target_semaphore(%arg38 : memref<!tpu.dma_semaphore, #tpu.memory_space<semaphore_mem>>)
    tpu.enqueue_dma source(%arg10 : memref<5x21xf32, #tpu.memory_space<hbm>>) target(%arg29 : memref<5x21xf32, #tpu.memory_space<vmem>>) target_semaphore(%arg38 : memref<!tpu.dma_semaphore, #tpu.memory_space<semaphore_mem>>)
    tpu.enqueue_dma source(%arg11 : memref<4x14xf32, #tpu.memory_space<hbm>>) target(%arg30 : memref<4x14xf32, #tpu.memory_space<vmem>>) target_semaphore(%arg38 : memref<!tpu.dma_semaphore, #tpu.memory_space<semaphore_mem>>)
    tpu.enqueue_dma source(%arg12 : memref<3x7xf32, #tpu.memory_space<hbm>>) target(%arg31 : memref<3x7xf32, #tpu.memory_space<vmem>>) target_semaphore(%arg38 : memref<!tpu.dma_semaphore, #tpu.memory_space<semaphore_mem>>)
    tpu.enqueue_dma source(%arg13 : memref<9x275xf32, #tpu.memory_space<hbm>>) target(%arg32 : memref<9x275xf32, #tpu.memory_space<vmem>>) target_semaphore(%arg38 : memref<!tpu.dma_semaphore, #tpu.memory_space<semaphore_mem>>)
    tpu.enqueue_dma source(%arg14 : memref<6x57xf32, #tpu.memory_space<hbm>>) target(%arg33 : memref<6x57xf32, #tpu.memory_space<vmem>>) target_semaphore(%arg38 : memref<!tpu.dma_semaphore, #tpu.memory_space<semaphore_mem>>)
    tpu.enqueue_dma source(%arg15 : memref<1x2xf32, #tpu.memory_space<hbm>>) target(%arg34 : memref<1x2xf32, #tpu.memory_space<vmem>>) target_semaphore(%arg38 : memref<!tpu.dma_semaphore, #tpu.memory_space<semaphore_mem>>)
    tpu.enqueue_dma source(%arg16 : memref<9x295xf32, #tpu.memory_space<hbm>>) target(%arg35 : memref<9x295xf32, #tpu.memory_space<vmem>>) target_semaphore(%arg38 : memref<!tpu.dma_semaphore, #tpu.memory_space<semaphore_mem>>)
    tpu.enqueue_dma source(%arg17 : memref<7x69xf32, #tpu.memory_space<hbm>>) target(%arg36 : memref<7x69xf32, #tpu.memory_space<vmem>>) target_semaphore(%arg38 : memref<!tpu.dma_semaphore, #tpu.memory_space<semaphore_mem>>)
    tpu.wait_dma2 semaphore(%arg38 : memref<!tpu.dma_semaphore, #tpu.memory_space<semaphore_mem>>) src(%arg0 : memref<2x89xf32, #tpu.memory_space<hbm>>) dst(%arg19 : memref<2x89xf32, #tpu.memory_space<vmem>>)
    tpu.wait_dma2 semaphore(%arg38 : memref<!tpu.dma_semaphore, #tpu.memory_space<semaphore_mem>>) src(%arg1 : memref<1x2xf32, #tpu.memory_space<hbm>>) dst(%arg20 : memref<1x2xf32, #tpu.memory_space<vmem>>)
    tpu.wait_dma2 semaphore(%arg38 : memref<!tpu.dma_semaphore, #tpu.memory_space<semaphore_mem>>) src(%arg2 : memref<8x256xf32, #tpu.memory_space<hbm>>) dst(%arg21 : memref<8x256xf32, #tpu.memory_space<vmem>>)
    tpu.wait_dma2 semaphore(%arg38 : memref<!tpu.dma_semaphore, #tpu.memory_space<semaphore_mem>>) src(%arg3 : memref<8x256xf32, #tpu.memory_space<hbm>>) dst(%arg22 : memref<8x256xf32, #tpu.memory_space<vmem>>)
    tpu.wait_dma2 semaphore(%arg38 : memref<!tpu.dma_semaphore, #tpu.memory_space<semaphore_mem>>) src(%arg4 : memref<8x256xf32, #tpu.memory_space<hbm>>) dst(%arg23 : memref<8x256xf32, #tpu.memory_space<vmem>>)
    tpu.wait_dma2 semaphore(%arg38 : memref<!tpu.dma_semaphore, #tpu.memory_space<semaphore_mem>>) src(%arg5 : memref<1x2xf32, #tpu.memory_space<hbm>>) dst(%arg24 : memref<1x2xf32, #tpu.memory_space<vmem>>)
    tpu.wait_dma2 semaphore(%arg38 : memref<!tpu.dma_semaphore, #tpu.memory_space<semaphore_mem>>) src(%arg6 : memref<1x2xf32, #tpu.memory_space<hbm>>) dst(%arg25 : memref<1x2xf32, #tpu.memory_space<vmem>>)
    tpu.wait_dma2 semaphore(%arg38 : memref<!tpu.dma_semaphore, #tpu.memory_space<semaphore_mem>>) src(%arg7 : memref<6x35xf32, #tpu.memory_space<hbm>>) dst(%arg26 : memref<6x35xf32, #tpu.memory_space<vmem>>)
    tpu.wait_dma2 semaphore(%arg38 : memref<!tpu.dma_semaphore, #tpu.memory_space<semaphore_mem>>) src(%arg8 : memref<9x370xf32, #tpu.memory_space<hbm>>) dst(%arg27 : memref<9x370xf32, #tpu.memory_space<vmem>>)
    tpu.wait_dma2 semaphore(%arg38 : memref<!tpu.dma_semaphore, #tpu.memory_space<semaphore_mem>>) src(%arg9 : memref<4x9xf32, #tpu.memory_space<hbm>>) dst(%arg28 : memref<4x9xf32, #tpu.memory_space<vmem>>)
    tpu.wait_dma2 semaphore(%arg38 : memref<!tpu.dma_semaphore, #tpu.memory_space<semaphore_mem>>) src(%arg10 : memref<5x21xf32, #tpu.memory_space<hbm>>) dst(%arg29 : memref<5x21xf32, #tpu.memory_space<vmem>>)
    tpu.wait_dma2 semaphore(%arg38 : memref<!tpu.dma_semaphore, #tpu.memory_space<semaphore_mem>>) src(%arg11 : memref<4x14xf32, #tpu.memory_space<hbm>>) dst(%arg30 : memref<4x14xf32, #tpu.memory_space<vmem>>)
    tpu.wait_dma2 semaphore(%arg38 : memref<!tpu.dma_semaphore, #tpu.memory_space<semaphore_mem>>) src(%arg12 : memref<3x7xf32, #tpu.memory_space<hbm>>) dst(%arg31 : memref<3x7xf32, #tpu.memory_space<vmem>>)
    tpu.wait_dma2 semaphore(%arg38 : memref<!tpu.dma_semaphore, #tpu.memory_space<semaphore_mem>>) src(%arg13 : memref<9x275xf32, #tpu.memory_space<hbm>>) dst(%arg32 : memref<9x275xf32, #tpu.memory_space<vmem>>)
    tpu.wait_dma2 semaphore(%arg38 : memref<!tpu.dma_semaphore, #tpu.memory_space<semaphore_mem>>) src(%arg14 : memref<6x57xf32, #tpu.memory_space<hbm>>) dst(%arg33 : memref<6x57xf32, #tpu.memory_space<vmem>>)
    tpu.wait_dma2 semaphore(%arg38 : memref<!tpu.dma_semaphore, #tpu.memory_space<semaphore_mem>>) src(%arg15 : memref<1x2xf32, #tpu.memory_space<hbm>>) dst(%arg34 : memref<1x2xf32, #tpu.memory_space<vmem>>)
    tpu.wait_dma2 semaphore(%arg38 : memref<!tpu.dma_semaphore, #tpu.memory_space<semaphore_mem>>) src(%arg16 : memref<9x295xf32, #tpu.memory_space<hbm>>) dst(%arg35 : memref<9x295xf32, #tpu.memory_space<vmem>>)
    tpu.wait_dma2 semaphore(%arg38 : memref<!tpu.dma_semaphore, #tpu.memory_space<semaphore_mem>>) src(%arg17 : memref<7x69xf32, #tpu.memory_space<hbm>>) dst(%arg36 : memref<7x69xf32, #tpu.memory_space<vmem>>)
    %broadcast_in_dim3A = arith.constant 0.000000e+00 : f32
    %broadcast_in_dim3A_0 = vector.broadcast %broadcast_in_dim3A : f32 to vector<8x3200xf32>
    %swap3A = arith.constant 0 : index
    %swap3A_1 = arith.constant 0 : index
    %swap3A_2 = vector.load %arg37[%swap3A, %swap3A_1] : memref<8x3200xf32, #tpu.memory_space<vmem>>, vector<8x3200xf32>
    tpu.vector_store %arg37[%swap3A, %swap3A_1], %broadcast_in_dim3A_0 {strides = array<i32>} : memref<8x3200xf32, #tpu.memory_space<vmem>>, vector<8x3200xf32>,
    %get3A = arith.constant 1 : index
    %get3A_3 = arith.constant 0 : index
    %get3A_4 = vector.load %arg19[%get3A, %get3A_3] : memref<2x89xf32, #tpu.memory_space<vmem>>, vector<1x89xf32>
    %get3A_5 = arith.constant 0 : index
    %get3A_6 = arith.constant 0 : index
    %get3A_7 = vector.load %arg19[%get3A_5, %get3A_6] : memref<2x89xf32, #tpu.memory_space<vmem>>, vector<1x89xf32>
    %sub3A = arith.subf %get3A_4, %get3A_7 : vector<1x89xf32>
    %slice3A = vector.extract_strided_slice %sub3A {offsets = [0, 0], sizes = [1, 8], strides = [1, 1]} : vector<1x89xf32> to vector<1x8xf32>
    %get3A_8 = arith.constant 0 : index
    %get3A_9 = arith.constant 0 : index
    %get3A_10 = vector.load %arg21[%get3A_8, %get3A_9] : memref<8x256xf32, #tpu.memory_space<vmem>>, vector<8x256xf32>
    %dot_general3A = arith.constant dense<0.000000e+00> : vector<1x256xf32>
    %dot_general3A_11 = tpu.matmul %slice3A, %get3A_10, %dot_general3A {dimension_numbers = #tpu.dot_dimension_numbers<[1], [0], [0], [1], [0, 0, 1, 1], [], []>, precision = #tpu.contract_precision<fp32>, transpose_lhs_hint = false} : vector<1x8xf32>, vector<8x256xf32>, vector<1x256xf32> -> vector<1x256xf32>
    %get3A_12 = arith.constant 0 : index
    %get3A_13 = arith.constant 1 : index
    %get3A_14 = vector.load %arg20[%get3A_12, %get3A_13] : memref<1x2xf32, #tpu.memory_space<vmem>>, vector<1x1xf32>
    %get3A_15 = arith.constant 0 : index
    %get3A_16 = arith.constant 0 : index
    %get3A_17 = vector.load %arg20[%get3A_15, %get3A_16] : memref<1x2xf32, #tpu.memory_space<vmem>>, vector<1x1xf32>
    %sub3A_18 = arith.subf %get3A_14, %get3A_17 : vector<1x1xf32>
    %add3A = vector.broadcast %sub3A_18 : vector<1x1xf32> to vector<1x256xf32>
    %add3A_19 = arith.addf %dot_general3A_11, %add3A : vector<1x256xf32>
    %swap3A_20 = arith.constant 0 : index
    %swap3A_21 = arith.constant 0 : index
    %swap3A_22 = vector.load %arg37[%swap3A_20, %swap3A_21] : memref<8x3200xf32, #tpu.memory_space<vmem>>, vector<1x256xf32>
    tpu.vector_store %arg37[%swap3A_20, %swap3A_21], %add3A_19 {strides = array<i32>} : memref<8x3200xf32, #tpu.memory_space<vmem>>, vector<1x256xf32>,
    %slice3A_23 = vector.extract_strided_slice %sub3A {offsets = [0, 8], sizes = [1, 8], strides = [1, 1]} : vector<1x89xf32> to vector<1x8xf32>
    %get3A_24 = arith.constant 0 : index
    %get3A_25 = arith.constant 0 : index
    %get3A_26 = vector.load %arg22[%get3A_24, %get3A_25] : memref<8x256xf32, #tpu.memory_space<vmem>>, vector<8x256xf32>
    %dot_general3A_27 = arith.constant dense<0.000000e+00> : vector<1x256xf32>
    %dot_general3A_28 = tpu.matmul %slice3A_23, %get3A_26, %dot_general3A_27 {dimension_numbers = #tpu.dot_dimension_numbers<[1], [0], [0], [1], [0, 0, 1, 1], [], []>, precision = #tpu.contract_precision<fp32>, transpose_lhs_hint = false} : vector<1x8xf32>, vector<8x256xf32>, vector<1x256xf32> -> vector<1x256xf32>
    %swap3A_29 = arith.constant 0 : index
    %swap3A_30 = arith.constant 256 : index
    %swap3A_31 = vector.load %arg37[%swap3A_29, %swap3A_30] : memref<8x3200xf32, #tpu.memory_space<vmem>>, vector<1x256xf32>
    tpu.vector_store %arg37[%swap3A_29, %swap3A_30], %dot_general3A_28 {strides = array<i32>} : memref<8x3200xf32, #tpu.memory_space<vmem>>, vector<1x256xf32>,
    %slice3A_32 = vector.extract_strided_slice %sub3A {offsets = [0, 16], sizes = [1, 8], strides = [1, 1]} : vector<1x89xf32> to vector<1x8xf32>
    %get3A_33 = arith.constant 0 : index
    %get3A_34 = arith.constant 0 : index
    %get3A_35 = vector.load %arg23[%get3A_33, %get3A_34] : memref<8x256xf32, #tpu.memory_space<vmem>>, vector<8x256xf32>
    %dot_general3A_36 = arith.constant dense<0.000000e+00> : vector<1x256xf32>
    %dot_general3A_37 = tpu.matmul %slice3A_32, %get3A_35, %dot_general3A_36 {dimension_numbers = #tpu.dot_dimension_numbers<[1], [0], [0], [1], [0, 0, 1, 1], [], []>, precision = #tpu.contract_precision<fp32>, transpose_lhs_hint = false} : vector<1x8xf32>, vector<8x256xf32>, vector<1x256xf32> -> vector<1x256xf32>
    %swap3A_38 = arith.constant 0 : index
    %swap3A_39 = arith.constant 512 : index
    %swap3A_40 = vector.load %arg37[%swap3A_38, %swap3A_39] : memref<8x3200xf32, #tpu.memory_space<vmem>>, vector<1x256xf32>
    tpu.vector_store %arg37[%swap3A_38, %swap3A_39], %dot_general3A_37 {strides = array<i32>} : memref<8x3200xf32, #tpu.memory_space<vmem>>, vector<1x256xf32>,
    %slice3A_41 = vector.extract_strided_slice %sub3A {offsets = [0, 24], sizes = [1, 1], strides = [1, 1]} : vector<1x89xf32> to vector<1x1xf32>
    %get3A_42 = arith.constant 0 : index
    %get3A_43 = arith.constant 0 : index
    %get3A_44 = vector.load %arg24[%get3A_42, %get3A_43] : memref<1x2xf32, #tpu.memory_space<vmem>>, vector<1x2xf32>
    %dot_general3A_45 = arith.constant dense<0.000000e+00> : vector<1x2xf32>
    %dot_general3A_46 = tpu.matmul %slice3A_41, %get3A_44, %dot_general3A_45 {dimension_numbers = #tpu.dot_dimension_numbers<[1], [0], [0], [1], [0, 0, 1, 1], [], []>, precision = #tpu.contract_precision<fp32>, transpose_lhs_hint = false} : vector<1x1xf32>, vector<1x2xf32>, vector<1x2xf32> -> vector<1x2xf32>
    %swap3A_47 = arith.constant 0 : index
    %swap3A_48 = arith.constant 768 : index
    %swap3A_49 = vector.load %arg37[%swap3A_47, %swap3A_48] : memref<8x3200xf32, #tpu.memory_space<vmem>>, vector<1x2xf32>
    tpu.vector_store %arg37[%swap3A_47, %swap3A_48], %dot_general3A_46 {strides = array<i32>} : memref<8x3200xf32, #tpu.memory_space<vmem>>, vector<1x2xf32>,
    %slice3A_50 = vector.extract_strided_slice %sub3A {offsets = [0, 25], sizes = [1, 1], strides = [1, 1]} : vector<1x89xf32> to vector<1x1xf32>
    %get3A_51 = arith.constant 0 : index
    %get3A_52 = arith.constant 0 : index
    %get3A_53 = vector.load %arg25[%get3A_51, %get3A_52] : memref<1x2xf32, #tpu.memory_space<vmem>>, vector<1x2xf32>
    %dot_general3A_54 = arith.constant dense<0.000000e+00> : vector<1x2xf32>
    %dot_general3A_55 = tpu.matmul %slice3A_50, %get3A_53, %dot_general3A_54 {dimension_numbers = #tpu.dot_dimension_numbers<[1], [0], [0], [1], [0, 0, 1, 1], [], []>, precision = #tpu.contract_precision<fp32>, transpose_lhs_hint = false} : vector<1x1xf32>, vector<1x2xf32>, vector<1x2xf32> -> vector<1x2xf32>
    %swap3A_56 = arith.constant 0 : index
    %swap3A_57 = arith.constant 896 : index
    %swap3A_58 = vector.load %arg37[%swap3A_56, %swap3A_57] : memref<8x3200xf32, #tpu.memory_space<vmem>>, vector<1x2xf32>
    tpu.vector_store %arg37[%swap3A_56, %swap3A_57], %dot_general3A_55 {strides = array<i32>} : memref<8x3200xf32, #tpu.memory_space<vmem>>, vector<1x2xf32>,
    %slice3A_59 = vector.extract_strided_slice %sub3A {offsets = [0, 26], sizes = [1, 6], strides = [1, 1]} : vector<1x89xf32> to vector<1x6xf32>
    %get3A_60 = arith.constant 0 : index
    %get3A_61 = arith.constant 0 : index
    %get3A_62 = vector.load %arg26[%get3A_60, %get3A_61] : memref<6x35xf32, #tpu.memory_space<vmem>>, vector<6x35xf32>
    %dot_general3A_63 = arith.constant dense<0.000000e+00> : vector<1x35xf32>
    %dot_general3A_64 = tpu.matmul %slice3A_59, %get3A_62, %dot_general3A_63 {dimension_numbers = #tpu.dot_dimension_numbers<[1], [0], [0], [1], [0, 0, 1, 1], [], []>, precision = #tpu.contract_precision<fp32>, transpose_lhs_hint = false} : vector<1x6xf32>, vector<6x35xf32>, vector<1x35xf32> -> vector<1x35xf32>
    %swap3A_65 = arith.constant 0 : index
    %swap3A_66 = arith.constant 1024 : index
    %swap3A_67 = vector.load %arg37[%swap3A_65, %swap3A_66] : memref<8x3200xf32, #tpu.memory_space<vmem>>, vector<1x35xf32>
    tpu.vector_store %arg37[%swap3A_65, %swap3A_66], %dot_general3A_64 {strides = array<i32>} : memref<8x3200xf32, #tpu.memory_space<vmem>>, vector<1x35xf32>,
    %slice3A_68 = vector.extract_strided_slice %sub3A {offsets = [0, 32], sizes = [1, 9], strides = [1, 1]} : vector<1x89xf32> to vector<1x9xf32>
    %get3A_69 = arith.constant 0 : index
    %get3A_70 = arith.constant 0 : index
    %get3A_71 = vector.load %arg27[%get3A_69, %get3A_70] : memref<9x370xf32, #tpu.memory_space<vmem>>, vector<9x370xf32>
    %dot_general3A_72 = arith.constant dense<0.000000e+00> : vector<1x370xf32>
    %dot_general3A_73 = tpu.matmul %slice3A_68, %get3A_71, %dot_general3A_72 {dimension_numbers = #tpu.dot_dimension_numbers<[1], [0], [0], [1], [0, 0, 1, 1], [], []>, precision = #tpu.contract_precision<fp32>, transpose_lhs_hint = false} : vector<1x9xf32>, vector<9x370xf32>, vector<1x370xf32> -> vector<1x370xf32>
    %swap3A_74 = arith.constant 0 : index
    %swap3A_75 = arith.constant 1152 : index
    %swap3A_76 = vector.load %arg37[%swap3A_74, %swap3A_75] : memref<8x3200xf32, #tpu.memory_space<vmem>>, vector<1x370xf32>
    tpu.vector_store %arg37[%swap3A_74, %swap3A_75], %dot_general3A_73 {strides = array<i32>} : memref<8x3200xf32, #tpu.memory_space<vmem>>, vector<1x370xf32>,
    %slice3A_77 = vector.extract_strided_slice %sub3A {offsets = [0, 41], sizes = [1, 4], strides = [1, 1]} : vector<1x89xf32> to vector<1x4xf32>
    %get3A_78 = arith.constant 0 : index
    %get3A_79 = arith.constant 0 : index
    %get3A_80 = vector.load %arg28[%get3A_78, %get3A_79] : memref<4x9xf32, #tpu.memory_space<vmem>>, vector<4x9xf32>
    %dot_general3A_81 = arith.constant dense<0.000000e+00> : vector<1x9xf32>
    %dot_general3A_82 = tpu.matmul %slice3A_77, %get3A_80, %dot_general3A_81 {dimension_numbers = #tpu.dot_dimension_numbers<[1], [0], [0], [1], [0, 0, 1, 1], [], []>, precision = #tpu.contract_precision<fp32>, transpose_lhs_hint = false} : vector<1x4xf32>, vector<4x9xf32>, vector<1x9xf32> -> vector<1x9xf32>
    %swap3A_83 = arith.constant 0 : index
    %swap3A_84 = arith.constant 1536 : index
    %swap3A_85 = vector.load %arg37[%swap3A_83, %swap3A_84] : memref<8x3200xf32, #tpu.memory_space<vmem>>, vector<1x9xf32>
    tpu.vector_store %arg37[%swap3A_83, %swap3A_84], %dot_general3A_82 {strides = array<i32>} : memref<8x3200xf32, #tpu.memory_space<vmem>>, vector<1x9xf32>,
    %slice3A_86 = vector.extract_strided_slice %sub3A {offsets = [0, 45], sizes = [1, 5], strides = [1, 1]} : vector<1x89xf32> to vector<1x5xf32>
    %get3A_87 = arith.constant 0 : index
    %get3A_88 = arith.constant 0 : index
    %get3A_89 = vector.load %arg29[%get3A_87, %get3A_88] : memref<5x21xf32, #tpu.memory_space<vmem>>, vector<5x21xf32>
    %dot_general3A_90 = arith.constant dense<0.000000e+00> : vector<1x21xf32>
    %dot_general3A_91 = tpu.matmul %slice3A_86, %get3A_89, %dot_general3A_90 {dimension_numbers = #tpu.dot_dimension_numbers<[1], [0], [0], [1], [0, 0, 1, 1], [], []>, precision = #tpu.contract_precision<fp32>, transpose_lhs_hint = false} : vector<1x5xf32>, vector<5x21xf32>, vector<1x21xf32> -> vector<1x21xf32>
    %swap3A_92 = arith.constant 0 : index
    %swap3A_93 = arith.constant 1664 : index
    %swap3A_94 = vector.load %arg37[%swap3A_92, %swap3A_93] : memref<8x3200xf32, #tpu.memory_space<vmem>>, vector<1x21xf32>
    tpu.vector_store %arg37[%swap3A_92, %swap3A_93], %dot_general3A_91 {strides = array<i32>} : memref<8x3200xf32, #tpu.memory_space<vmem>>, vector<1x21xf32>,
    %slice3A_95 = vector.extract_strided_slice %sub3A {offsets = [0, 50], sizes = [1, 4], strides = [1, 1]} : vector<1x89xf32> to vector<1x4xf32>
    %get3A_96 = arith.constant 0 : index
    %get3A_97 = arith.constant 0 : index
    %get3A_98 = vector.load %arg30[%get3A_96, %get3A_97] : memref<4x14xf32, #tpu.memory_space<vmem>>, vector<4x14xf32>
    %dot_general3A_99 = arith.constant dense<0.000000e+00> : vector<1x14xf32>
    %dot_general3A_100 = tpu.matmul %slice3A_95, %get3A_98, %dot_general3A_99 {dimension_numbers = #tpu.dot_dimension_numbers<[1], [0], [0], [1], [0, 0, 1, 1], [], []>, precision = #tpu.contract_precision<fp32>, transpose_lhs_hint = false} : vector<1x4xf32>, vector<4x14xf32>, vector<1x14xf32> -> vector<1x14xf32>
    %swap3A_101 = arith.constant 0 : index
    %swap3A_102 = arith.constant 1792 : index
    %swap3A_103 = vector.load %arg37[%swap3A_101, %swap3A_102] : memref<8x3200xf32, #tpu.memory_space<vmem>>, vector<1x14xf32>
    tpu.vector_store %arg37[%swap3A_101, %swap3A_102], %dot_general3A_100 {strides = array<i32>} : memref<8x3200xf32, #tpu.memory_space<vmem>>, vector<1x14xf32>,
    %slice3A_104 = vector.extract_strided_slice %sub3A {offsets = [0, 54], sizes = [1, 3], strides = [1, 1]} : vector<1x89xf32> to vector<1x3xf32>
    %get3A_105 = arith.constant 0 : index
    %get3A_106 = arith.constant 0 : index
    %get3A_107 = vector.load %arg31[%get3A_105, %get3A_106] : memref<3x7xf32, #tpu.memory_space<vmem>>, vector<3x7xf32>
    %dot_general3A_108 = arith.constant dense<0.000000e+00> : vector<1x7xf32>
    %dot_general3A_109 = tpu.matmul %slice3A_104, %get3A_107, %dot_general3A_108 {dimension_numbers = #tpu.dot_dimension_numbers<[1], [0], [0], [1], [0, 0, 1, 1], [], []>, precision = #tpu.contract_precision<fp32>, transpose_lhs_hint = false} : vector<1x3xf32>, vector<3x7xf32>, vector<1x7xf32> -> vector<1x7xf32>
    %swap3A_110 = arith.constant 0 : index
    %swap3A_111 = arith.constant 1920 : index
    %swap3A_112 = vector.load %arg37[%swap3A_110, %swap3A_111] : memref<8x3200xf32, #tpu.memory_space<vmem>>, vector<1x7xf32>
    tpu.vector_store %arg37[%swap3A_110, %swap3A_111], %dot_general3A_109 {strides = array<i32>} : memref<8x3200xf32, #tpu.memory_space<vmem>>, vector<1x7xf32>,
    %slice3A_113 = vector.extract_strided_slice %sub3A {offsets = [0, 57], sizes = [1, 9], strides = [1, 1]} : vector<1x89xf32> to vector<1x9xf32>
    %get3A_114 = arith.constant 0 : index
    %get3A_115 = arith.constant 0 : index
    %get3A_116 = vector.load %arg32[%get3A_114, %get3A_115] : memref<9x275xf32, #tpu.memory_space<vmem>>, vector<9x275xf32>
    %dot_general3A_117 = arith.constant dense<0.000000e+00> : vector<1x275xf32>
    %dot_general3A_118 = tpu.matmul %slice3A_113, %get3A_116, %dot_general3A_117 {dimension_numbers = #tpu.dot_dimension_numbers<[1], [0], [0], [1], [0, 0, 1, 1], [], []>, precision = #tpu.contract_precision<fp32>, transpose_lhs_hint = false} : vector<1x9xf32>, vector<9x275xf32>, vector<1x275xf32> -> vector<1x275xf32>
    %swap3A_119 = arith.constant 0 : index
    %swap3A_120 = arith.constant 2048 : index
    %swap3A_121 = vector.load %arg37[%swap3A_119, %swap3A_120] : memref<8x3200xf32, #tpu.memory_space<vmem>>, vector<1x275xf32>
    tpu.vector_store %arg37[%swap3A_119, %swap3A_120], %dot_general3A_118 {strides = array<i32>} : memref<8x3200xf32, #tpu.memory_space<vmem>>, vector<1x275xf32>,
    %slice3A_122 = vector.extract_strided_slice %sub3A {offsets = [0, 66], sizes = [1, 6], strides = [1, 1]} : vector<1x89xf32> to vector<1x6xf32>
    %get3A_123 = arith.constant 0 : index
    %get3A_124 = arith.constant 0 : index
    %get3A_125 = vector.load %arg33[%get3A_123, %get3A_124] : memref<6x57xf32, #tpu.memory_space<vmem>>, vector<6x57xf32>
    %dot_general3A_126 = arith.constant dense<0.000000e+00> : vector<1x57xf32>
    %dot_general3A_127 = tpu.matmul %slice3A_122, %get3A_125, %dot_general3A_126 {dimension_numbers = #tpu.dot_dimension_numbers<[1], [0], [0], [1], [0, 0, 1, 1], [], []>, precision = #tpu.contract_precision<fp32>, transpose_lhs_hint = false} : vector<1x6xf32>, vector<6x57xf32>, vector<1x57xf32> -> vector<1x57xf32>
    %swap3A_128 = arith.constant 0 : index
    %swap3A_129 = arith.constant 2432 : index
    %swap3A_130 = vector.load %arg37[%swap3A_128, %swap3A_129] : memref<8x3200xf32, #tpu.memory_space<vmem>>, vector<1x57xf32>
    tpu.vector_store %arg37[%swap3A_128, %swap3A_129], %dot_general3A_127 {strides = array<i32>} : memref<8x3200xf32, #tpu.memory_space<vmem>>, vector<1x57xf32>,
    %slice3A_131 = vector.extract_strided_slice %sub3A {offsets = [0, 72], sizes = [1, 1], strides = [1, 1]} : vector<1x89xf32> to vector<1x1xf32>
    %get3A_132 = arith.constant 0 : index
    %get3A_133 = arith.constant 0 : index
    %get3A_134 = vector.load %arg34[%get3A_132, %get3A_133] : memref<1x2xf32, #tpu.memory_space<vmem>>, vector<1x2xf32>
    %dot_general3A_135 = arith.constant dense<0.000000e+00> : vector<1x2xf32>
    %dot_general3A_136 = tpu.matmul %slice3A_131, %get3A_134, %dot_general3A_135 {dimension_numbers = #tpu.dot_dimension_numbers<[1], [0], [0], [1], [0, 0, 1, 1], [], []>, precision = #tpu.contract_precision<fp32>, transpose_lhs_hint = false} : vector<1x1xf32>, vector<1x2xf32>, vector<1x2xf32> -> vector<1x2xf32>
    %swap3A_137 = arith.constant 0 : index
    %swap3A_138 = arith.constant 2560 : index
    %swap3A_139 = vector.load %arg37[%swap3A_137, %swap3A_138] : memref<8x3200xf32, #tpu.memory_space<vmem>>, vector<1x2xf32>
    tpu.vector_store %arg37[%swap3A_137, %swap3A_138], %dot_general3A_136 {strides = array<i32>} : memref<8x3200xf32, #tpu.memory_space<vmem>>, vector<1x2xf32>,
    %slice3A_140 = vector.extract_strided_slice %sub3A {offsets = [0, 73], sizes = [1, 9], strides = [1, 1]} : vector<1x89xf32> to vector<1x9xf32>
    %get3A_141 = arith.constant 0 : index
    %get3A_142 = arith.constant 0 : index
    %get3A_143 = vector.load %arg35[%get3A_141, %get3A_142] : memref<9x295xf32, #tpu.memory_space<vmem>>, vector<9x295xf32>
    %dot_general3A_144 = arith.constant dense<0.000000e+00> : vector<1x295xf32>
    %dot_general3A_145 = tpu.matmul %slice3A_140, %get3A_143, %dot_general3A_144 {dimension_numbers = #tpu.dot_dimension_numbers<[1], [0], [0], [1], [0, 0, 1, 1], [], []>, precision = #tpu.contract_precision<fp32>, transpose_lhs_hint = false} : vector<1x9xf32>, vector<9x295xf32>, vector<1x295xf32> -> vector<1x295xf32>
    %swap3A_146 = arith.constant 0 : index
    %swap3A_147 = arith.constant 2688 : index
    %swap3A_148 = vector.load %arg37[%swap3A_146, %swap3A_147] : memref<8x3200xf32, #tpu.memory_space<vmem>>, vector<1x295xf32>
    tpu.vector_store %arg37[%swap3A_146, %swap3A_147], %dot_general3A_145 {strides = array<i32>} : memref<8x3200xf32, #tpu.memory_space<vmem>>, vector<1x295xf32>,
    %slice3A_149 = vector.extract_strided_slice %sub3A {offsets = [0, 82], sizes = [1, 7], strides = [1, 1]} : vector<1x89xf32> to vector<1x7xf32>
    %get3A_150 = arith.constant 0 : index
    %get3A_151 = arith.constant 0 : index
    %get3A_152 = vector.load %arg36[%get3A_150, %get3A_151] : memref<7x69xf32, #tpu.memory_space<vmem>>, vector<7x69xf32>
    %dot_general3A_153 = arith.constant dense<0.000000e+00> : vector<1x69xf32>
    %dot_general3A_154 = tpu.matmul %slice3A_149, %get3A_152, %dot_general3A_153 {dimension_numbers = #tpu.dot_dimension_numbers<[1], [0], [0], [1], [0, 0, 1, 1], [], []>, precision = #tpu.contract_precision<fp32>, transpose_lhs_hint = false} : vector<1x7xf32>, vector<7x69xf32>, vector<1x69xf32> -> vector<1x69xf32>
    %mul3A = arith.constant 5.000000e-02 : f32
    %mul3A_155 = vector.broadcast %mul3A : f32 to vector<1x69xf32>
    %mul3A_156 = arith.mulf %dot_general3A_154, %mul3A_155 : vector<1x69xf32>
    %swap3A_157 = arith.constant 0 : index
    %swap3A_158 = arith.constant 3072 : index
    %swap3A_159 = vector.load %arg37[%swap3A_157, %swap3A_158] : memref<8x3200xf32, #tpu.memory_space<vmem>>, vector<1x69xf32>
    tpu.vector_store %arg37[%swap3A_157, %swap3A_158], %mul3A_156 {strides = array<i32>} : memref<8x3200xf32, #tpu.memory_space<vmem>>, vector<1x69xf32>,
    tpu.enqueue_dma source(%arg37 : memref<8x3200xf32, #tpu.memory_space<vmem>>) target(%arg18 : memref<8x3200xf32, #tpu.memory_space<hbm>>) target_semaphore(%arg38 : memref<!tpu.dma_semaphore, #tpu.memory_space<semaphore_mem>>)
    tpu.wait_dma2 semaphore(%arg38 : memref<!tpu.dma_semaphore, #tpu.memory_space<semaphore_mem>>) src(%arg37 : memref<8x3200xf32, #tpu.memory_space<vmem>>) dst(%arg18 : memref<8x3200xf32, #tpu.memory_space<hbm>>)
    return
  }
}

</mosaic_0001>

<sc_bundles>
// kernel: kernel.4.cloned.1.call-start
scs
__scs_entry_jumppad:
0x0: {  	(pc) =	sbr.rel $0x88, $3  }
0x1: {  	(tag) =	ssettag $0x0;
	lr =	simm.s32 $0x1  }
0x2: {  	[smem:$0x3F7F] =	sst lr;
	_ =	strace $0xD0000000  }
0x3: {  	_ = 	snop  }
0x4: {  	_ = 	snop  }
0x5: {  	_ = 	snop  }
0x6: {  	_ = 	snop  }
0x7: {  	_ = 	snop  }
__scs_overlays_trampoline_lowered:
0x8: {  	[smem:$0x3F8E] =	sst s0  }
0x9: {  	[smem:$0x3F8F] =	sst s1  }
0xa: {  	[smem:$0x3F90] =	sst s2  }
0xb: {  	[smem:$0x3F91] =	sst s3  }
0xc: {  	[smem:$0x3F92] =	sst s4  }
0xd: {  	[smem:$0x3F93] =	sst s5  }
0xe: {  	[smem:$0x3F94] =	sst s6  }
0xf: {  	[smem:$0x3F95] =	sst s7  }
0x10: {  	[smem:$0x3F96] =	sst s8  }
0x11: {  	[smem:$0x3F97] =	sst s9;
	s0 =	simm.s32 @!p0 $0x0  }
0x12: {  	s1 =	sld [smem:$0x3F7D];
	s0 =	simm.s32 @p0 $0x1  }
0x13: {  	[smem:$0x3F98] =	sst s0;
	s0 =	simm.s32 @!p1 $0x0  }
0x14: {  	s2 =	sld [smem:$0x3F7C];
	s0 =	simm.s32 @p1 $0x1  }
0x15: {  	[smem:$0x3F99] =	sst s0;
	s0 =	simm.s32 @!p2 $0x0  }
0x16: {  	s3 =	sld [smem:$0x3FDB];
	s0 =	simm.s32 @p2 $0x1  }
0x17: {  	s4 =	simm.s32 $0x1BF5;
	[smem:$0x3F9B] =	sst s0  }
0x18: {  	s0 =	sld [smem:$0x3F7E];
	_ =	swait.ge [sflag:s4], $0x0  }
0x19: {  	s7 =	sld [smem:$0x3F7F]  }
0x1a: {  	s8 =	sadd.s32 $0xFFFFE003, lr  }
0x1b: {  	s9 =	sadd.s32 $0xFFFFFEF7, lr;
	s5 =	simm.s32 $0xFFFFFFFF;
	p2 =	slt.u32 s8, $0xFFFFF086  }
0x1c: {  	p1 =	slt.u32 s9, $0xF7A;
	s5 =	simm.s32 @!p2 $0x0  }
0x1d: {  	s5 =	simm.s32 @p1 $0x1;
	p0 =	seq.s32 s7, s2  }
0x1e: {  	s7 =	smul.u32 @!p0 $0xF7A, s2;
	p2 =	seq.s32 @!p0 s5, $0x0  }
0x1f: {  	s9 =	smul.u32 $0xF7A, s1;
	s8 =	simm.s32 @!p0 $0x1BF5;
	p2 =	por !p2, p0  }
0x20: {  	[sflag:s8] =	ssyncset.s32 @!p0 $0xFFFFF086;
	s6 =	sadd.s32 @!p0 s3, s7;
	s7 =	simm.s32 @!p0 $0x108  }
0x21: {  	s3 =	sadd.s32 s3, s9;
	s6 =	sadd.s32 @!p0 $0x88, s6;
	s7 =	simm.s32 @p2 $0x1082  }
0x22: {  	[simem:s7], [sflag:s8] =	dma.local @!p0 [hbm:s6], $0xF7A  }
0x23: {  	s9 =	sor.u32 $0xD0000000, s2;
	s6 =	simm.s32 $0x108;
	_ =	swait.ge @!p0 [sflag:s8], $0x0  }
0x24: {  	s3 =	sadd.s32 $0x88, s3;
	s6 =	simm.s32 @!p1 $0x1082;
	[sflag:s4] =	ssyncset.s32 $0xFFFFF086  }
0x25: {  	[simem:s6], [sflag:s4] =	dma.local [hbm:s3], $0xF7A  }
0x26: {  	[smem:$0x3F7F] =	sst s1;
	(tag) =	ssettag s2;
	_ =	strace s9  }
0x27: {  	s1 =	sld [smem:$0x3F8F]  }
0x28: {  	s2 =	sld [smem:$0x3F90]  }
0x29: {  	s4 =	sld [smem:$0x3F92]  }
0x2a: {  	p0 =	seq.s32 s5, $0x0;
	s5 =	sld [smem:$0x3F93]  }
0x2b: {  	s6 =	sld [smem:$0x3F94]  }
0x2c: {  	s7 =	sld [smem:$0x3F95]  }
0x2d: {  	s3 =	simm.s32 $0x108;
	s8 =	sld [smem:$0x3F96]  }
0x2e: {  	s3 =	simm.s32 @!p0 $0x1082;
	s9 =	sld [smem:$0x3F97]  }
0x2f: {  	lr =	sadd.s32 s0, s3;
	s0 =	sld [smem:$0x3F8E]  }
0x30: {  	s3 =	sld [smem:$0x3F91]  }
0x31: {  	[smem:$0x3F9A] =	sst s10  }
0x32: {  	s10 =	sld [smem:$0x3F98];
	_ =	sdelay $0x3  }
0x33: {  	p0 =	seq.s32 s10, $0x1;
	s10 =	sld [smem:$0x3F9A];
	_ =	sdelay $0x3  }
0x34: {  	[smem:$0x3F9A] =	sst s10  }
0x35: {  	s10 =	sld [smem:$0x3F99];
	_ =	sdelay $0x3  }
0x36: {  	p1 =	seq.s32 s10, $0x1;
	s10 =	sld [smem:$0x3F9A];
	_ =	sdelay $0x3  }
0x37: {  	[smem:$0x3F9A] =	sst s10  }
0x38: {  	s10 =	sld [smem:$0x3F9B]  }
0x39: {  	_ = 	snop;
	(pc) =	sbr.ind lr, $3  }
0x3a: {  	_ = 	snop  }
0x3b: {  	_ = 	snop  }
0x3c: {  	p2 =	seq.s32 s10, $0x1;
	s10 =	sld [smem:$0x3F9A]  }
0x3d: {  	_ =	shalt  }
0x3e: {  	_ =	shalt  }
0x3f: {  	_ =	shalt  }
0x40: {  	_ =	shalt  }
0x41: {  	_ =	shalt  }
0x42: {  	_ =	shalt  }
0x43: {  	_ =	shalt  }
0x44: {  	_ =	shalt  }
0x45: {  	_ =	shalt  }
0x46: {  	_ =	shalt  }
0x47: {  	_ =	shalt  }
0x48: {  	_ =	shalt  }
0x49: {  	_ =	shalt  }
0x4a: {  	_ =	shalt  }
0x4b: {  	_ =	shalt  }
0x4c: {  	_ =	shalt  }
0x4d: {  	_ =	shalt  }
0x4e: {  	_ =	shalt  }
0x4f: {  	_ =	shalt  }
0x50: {  	_ =	shalt  }
0x51: {  	_ =	shalt  }
0x52: {  	_ =	shalt  }
0x53: {  	_ =	shalt  }
0x54: {  	_ =	shalt  }
0x55: {  	_ =	shalt  }
0x56: {  	_ =	shalt  }
0x57: {  	_ =	shalt  }
0x58: {  	_ =	shalt  }
0x59: {  	_ =	shalt  }
0x5a: {  	_ =	shalt  }
0x5b: {  	_ =	shalt  }
0x5c: {  	_ =	shalt  }
0x5d: {  	_ =	shalt  }
0x5e: {  	_ =	shalt  }
0x5f: {  	_ =	shalt  }
0x60: {  	_ =	shalt  }
0x61: {  	_ =	shalt  }
0x62: {  	_ =	shalt  }
0x63: {  	_ =	shalt  }
0x64: {  	_ =	shalt  }
0x65: {  	_ =	shalt  }
0x66: {  	_ =	shalt  }
0x67: {  	_ =	shalt  }
0x68: {  	_ =	shalt  }
0x69: {  	_ =	shalt  }
0x6a: {  	_ =	shalt  }
0x6b: {  	_ =	shalt  }
0x6c: {  	_ =	shalt  }
0x6d: {  	_ =	shalt  }
0x6e: {  	_ =	shalt  }
0x6f: {  	_ =	shalt  }
0x70: {  	_ =	shalt  }
0x71: {  	_ =	shalt  }
0x72: {  	_ =	shalt  }
0x73: {  	_ =	shalt  }
0x74: {  	_ =	shalt  }
0x75: {  	_ =	shalt  }
0x76: {  	_ =	shalt  }
0x77: {  	_ =	shalt  }
0x78: {  	_ =	shalt  }
0x79: {  	_ =	shalt  }
0x7a: {  	_ =	shalt  }
0x7b: {  	_ =	shalt  }
0x7c: {  	_ =	shalt  }
0x7d: {  	_ =	shalt  }
0x7e: {  	_ =	shalt  }
0x7f: {  	_ =	shalt  }
0x80: {  	_ =	shalt  }
0x81: {  	_ =	shalt  }
0x82: {  	_ =	shalt  }
0x83: {  	_ =	shalt  }
0x84: {  	_ =	shalt  }
0x85: {  	_ =	shalt  }
0x86: {  	_ =	shalt  }
0x87: {  	_ =	shalt  }
.Lfunc_end0:
.L_simem_size_0:
called_computation_lowered:
.L_overlay_start_0:
0x88: {  	s2 =	sld [smem:$0x3FD9]  }
0x89: {  	s3 =	sld [smem:$0x3FFE];
	_ =	sdelay $0x1  }
0x8a: {  	s1 =	srdreg.scid  }
0x8b: {  	s0 =	sand.u32 $0x1, s1  }
0x8c: {  	s22 =	sshll.u32 s0, $0xA;
	s2 =	sadd.s32 s3, s2  }
0x8d: {  	s2 =	sadd.s32 s2, s22  }
0x8e: {  	[smem:$0x3FA6] =	sst s2  }
0x8f: {  	_ = 	snop  }
0x90: {  	s2 =	sld [smem:$0x3FC9]  }
0x91: {  	s3 =	sld [smem:$0x3FC7]  }
0x92: {  	s4 =	sld [smem:$0x3FC5]  }
0x93: {  	s5 =	sld [smem:$0x3FC3]  }
0x94: {  	s6 =	sld [smem:$0x3FC1]  }
0x95: {  	s7 =	sld [smem:$0x3FBF]  }
0x96: {  	s8 =	sld [smem:$0x3FBD]  }
0x97: {  	s9 =	sld [smem:$0x3FBB]  }
0x98: {  	s10 =	sld [smem:$0x3FB9]  }
0x99: {  	s11 =	sld [smem:$0x3FB7]  }
0x9a: {  	s12 =	sld [smem:$0x3FB5]  }
0x9b: {  	s13 =	sld [smem:$0x3FB3]  }
0x9c: {  	s14 =	sld [smem:$0x3FB1]  }
0x9d: {  	s15 =	sld [smem:$0x3FAF]  }
0x9e: {  	s17 =	sld [smem:$0x3FAD]  }
0x9f: {  	s18 =	sld [smem:$0x3FAB]  }
0xa0: {  	s19 =	sld [smem:$0x3FD0];
	(tm) =	ssettm $0x1  }
0xa1: {  	s16 =	sld [smem:$0x3FFB];
	_ =	sdelay $0x3  }
0xa2: {  	_ =	strace s16  }
0xa3: {  	s16 =	sld [smem:$0x3FFC];
	_ =	sdelay $0x3  }
0xa4: {  	_ =	strace s16  }
0xa5: {  	s16 =	sld [smem:$0x3FFD];
	_ =	sdelay $0x3  }
0xa6: {  	_ =	strace s16  }
0xa7: {  	_ =	strace $0x8FFFFFFF  }
0xa8: {  	s23 =	sld [smem:$0x3FDB];
	_ =	sdelay $0x1  }
0xa9: {  	s20 =	simm.s32 $_scs_section_size  }
0xaa: {  	s21 =	simm.s32 $_size__tile_task_arg_handler_lowered;
	s22 =	simm.s32 $_tile_task_arg_handler_lowered  }
0xab: {  	s26 =	simm.s32 $0x1BFF;
	s25 =	sshll.u32 s22, $0x1;
	s20 =	sadd.s32 s20, s23  }
0xac: {  	s24 =	sshll.u32 s21, $0x1;
	s23 =	simm.s32 $0x60;
	s21 =	sadd.s32 s25, s20  }
0xad: {  	[timem:s23], [sflag:s26] =	dma.local [hbm:s21], s24  }
0xae: {  	_ =	swait.ge [sflag:s26], s24  }
0xaf: {  	s28 =	simm.s32 $_tile_overlayer_lowered;
	s16 =	ssub.s32 $0x0, s24;
	[sflag:s26] =	ssyncset.done $0x0  }
0xb0: {  	s29 =	simm.s32 $_size__tile_overlayer_lowered;
	s21 =	sshll.u32 s28, $0x1;
	[sflag:s26] =	ssyncadd.s32 s16  }
0xb1: {  	s30 =	sshll.u32 s29, $0x1;
	s21 =	sadd.s32 s21, s20;
	s16 =	simm.s32 $0x0  }
0xb2: {  	[timem:s16], [sflag:s26] =	dma.local [hbm:s21], s30  }
0xb3: {  	_ =	swait.ge [sflag:s26], s30  }
0xb4: {  	s31 =	ssub.s32 $0x0, s30;
	[sflag:s26] =	ssyncset.done $0x0  }
0xb5: {  	[sflag:s26] =	ssyncadd.s32 s31;
	_ =	sdelay $0x1  }
0xb6: {  	s23 =	simm.s32 $0x1B8B  }
0xb7: {  	_ =	swait.ge [sflag:s23], $0x1  }
0xb8: {  	[sflag:s23] =	ssyncset.done $0x0  }
0xb9: {  	s25 =	simm.s32 $0x1B8E;
	s24 =	sld [smem:$0x3FFE];
	[sflag:s23] =	ssyncadd.s32 $0xFFFFFFFF  }
0xba: {  	s26 =	simm.s32 $execute0_lowered;
	[smem:$0x3FD2] =	sst s25  }
0xbb: {  	s22 =	sshll.u32 s26, $0x1;
	_ =	strace $0x80000046;
	[dreg:$0x1] =	wrdreg $0xFFFFFFFF  }
0xbc: {  	s28 =	simm.s32 $_size_execute0_lowered;
	s20 =	sadd.s32 s20, s22;
	[dreg:$0x0] =	wrdreg $0x0  }
0xbd: {  	s22 =	sshll.u32 s28, $0x1;
	[dreg:$0x2] =	wrdreg s20  }
0xbe: {  	[dreg:$0x3] =	wrdreg s22  }
0xbf: {  	[dreg:$0x4] =	wrdreg $0xC0  }
0xc0: {  	_ =	task [dreg:s16], $0x5FFFF  }
0xc1: {  	[dreg:$0x1] =	wrdreg $0xFFFFFFFF  }
0xc2: {  	[dreg:$0x0] =	wrdreg $0x30  }
0xc3: {  	[dreg:$0x2] =	wrdreg $0x0  }
0xc4: {  	[dreg:$0x3] =	wrdreg s17  }
0xc5: {  	[dreg:$0x4] =	wrdreg s18  }
0xc6: {  	[dreg:$0x5] =	wrdreg s24  }
0xc7: {  	[dreg:$0x6] =	wrdreg s19  }
0xc8: {  	[dreg:$0x7] =	wrdreg $0x9  }
0xc9: {  	_ =	task [dreg:s16], $0x8FFFF  }
0xca: {  	[dreg:$0x1] =	wrdreg $0xFFFFFFFF  }
0xcb: {  	[dreg:$0x0] =	wrdreg $0x60  }
0xcc: {  	[dreg:$0x2] =	wrdreg s2  }
0xcd: {  	[dreg:$0x3] =	wrdreg s3  }
0xce: {  	[dreg:$0x4] =	wrdreg s4  }
0xcf: {  	[dreg:$0x5] =	wrdreg s5  }
0xd0: {  	[dreg:$0x6] =	wrdreg s6  }
0xd1: {  	[dreg:$0x7] =	wrdreg s7  }
0xd2: {  	[dreg:$0x8] =	wrdreg s8  }
0xd3: {  	[dreg:$0x9] =	wrdreg s9  }
0xd4: {  	[dreg:$0xa] =	wrdreg s10  }
0xd5: {  	[dreg:$0xb] =	wrdreg s11  }
0xd6: {  	[dreg:$0xc] =	wrdreg s12  }
0xd7: {  	[dreg:$0xd] =	wrdreg s13  }
0xd8: {  	[dreg:$0xe] =	wrdreg s14  }
0xd9: {  	[dreg:$0xf] =	wrdreg s15  }
0xda: {  	_ =	task.clear_ibuf [dreg:s16], $0x10FFFF;
	_ =	strace $0x90000046  }
0xdb: {  	s29 =	simm.s32 $0x9;
	_ =	strace $0x80000048  }
0xdc: {  	_ =	swait.ge [sflag:s29], $0x1  }
0xdd: {  	[sflag:s29] =	ssyncadd.s32 $0xFFFFFFFF  }
0xde: {  	_ =	strace $0x90000048  }
0xdf: {  	_ =	sfence  }
0xe0: {  	s30 =	sld [smem:$0x0];
	_ =	sdelay $0x2  }
0xe1: {  	s31 =	sshll.u32 s1, $0xD;
	s1 =	sshrl.u32 s1, $0x2  }
0xe2: {  	s3 =	sand.u32 $0x4000, s31;
	s1 =	sadd.s32 s1, s30  }
0xe3: {  	s0 =	sor.u32 s3, s0;
	s1 =	sshll.u32 s1, $0x11  }
0xe4: {  	s0 =	sor.u32 s1, s0  }
0xe5: {  	s0 =	sadd.s32 $0x8F2B, s0  }
0xe6: {  	[sflag:s0] =	ssyncadd.remote.s32 $0x1  }
0xe7: {  	_ =	sfence.sel $0xFFFF  }
0xe8: {  	[dreg:$0x0] =	wrdreg $0xFFFFFFFF;
	(pc) =	sbr.abs _section_cstart, $3  }
0xe9: {  	[dreg:$0x1] =	wrdreg $0xFFFFFFFF  }
0xea: {  	_ =	task.clear_ibuf [dreg:s16], $0x2FFFF;
	_ =	strace $0x9FFFFFFF  }
0xeb: {  	(tm) =	ssettm $0x7FFFFFFF  }
tec
_tile_task_arg_handler_lowered:
.L_overlay_start_1:
0x0: {  	(tag) =	ssettag $0x1  }
0x1: {  	s0 =	rddreg [dreg:$0x0]  }
0x2: {  	s1 =	rddreg [dreg:$0x1]  }
0x3: {  	s2 =	rddreg [dreg:$0x2]  }
0x4: {  	s3 =	rddreg [dreg:$0x3]  }
0x5: {  	s4 =	rddreg [dreg:$0x4]  }
0x6: {  	s5 =	rddreg [dreg:$0x5]  }
0x7: {  	s6 =	rddreg [dreg:$0x6]  }
0x8: {  	s7 =	rddreg [dreg:$0x7]  }
0x9: {  	s8 =	rddreg [dreg:$0x8]  }
0xa: {  	s9 =	rddreg [dreg:$0x9]  }
0xb: {  	s10 =	rddreg [dreg:$0xa]  }
0xc: {  	s11 =	rddreg [dreg:$0xb]  }
0xd: {  	s12 =	rddreg [dreg:$0xc]  }
0xe: {  	s13 =	rddreg [dreg:$0xd]  }
0xf: {  	[smem:s0] =	sst s1  }
0x10: {  	[smem:s0+$0x1] =	sst s2  }
0x11: {  	[smem:s0+$0x2] =	sst s3  }
0x12: {  	[smem:s0+$0x3] =	sst s4  }
0x13: {  	[smem:s0+$0x4] =	sst s5  }
0x14: {  	[smem:s0+$0x5] =	sst s6  }
0x15: {  	[smem:s0+$0x6] =	sst s7  }
0x16: {  	[smem:s0+$0x7] =	sst s8  }
0x17: {  	[smem:s0+$0x8] =	sst s9  }
0x18: {  	[smem:s0+$0x9] =	sst s10  }
0x19: {  	[smem:s0+$0xA] =	sst s11  }
0x1a: {  	[smem:s0+$0xB] =	sst s12  }
0x1b: {  	[smem:s0+$0xC] =	sst s13;
	_ =	shalt  }
.Lfunc_end2:
execute0_lowered:
.L_overlay_start_2:
0x1c: {  	(tag) =	ssettag $0x2  }
0x1d: {  	s1 =	rddreg [dreg:$0x0]  }
0x1e: {  	s2 =	rddreg [dreg:$0x1]  }
0x1f: {  	s6 =	rddreg [dreg:$0x2]  }
0x20: {  	s7 =	rddreg [dreg:$0x3]  }
0x21: {  	s8 =	rddreg [dreg:$0x4]  }
0x22: {  	s9 =	rddreg [dreg:$0x5]  }
0x23: {  	s10 =	rddreg [dreg:$0x6]  }
0x24: {  	s11 =	rddreg [dreg:$0x7]  }
0x25: {  	s12 =	rddreg [dreg:$0x8]  }
0x26: {  	s13 =	rddreg [dreg:$0x9]  }
0x27: {  	s14 =	rddreg [dreg:$0xa]  }
0x28: {  	s15 =	rddreg [dreg:$0xb]  }
0x29: {  	s16 =	rddreg [dreg:$0xc]  }
0x2a: {  	s17 =	rddreg [dreg:$0xd];
	s0 =	simm.s32 $0x0  }
0x2b: {  	s4 =	srdreg.scid;
	[smem:$0x7FF] =	sst s0  }
0x2c: {  	s5 =	stileid.u32;
	s19 =	sld [smem:$0x0]  }
0x2d: {  	s28 =	simm.s32 $0x1;
	s29 =	simm.s32 $0x2080;
	s18 =	sld [smem:$0x1]  }
0x2e: {  	s30 =	simm.s32 $0x2;
	s31 =	simm.s32 $0x0;
	s3 =	sld [smem:$0x2]  }
0x2f: {  	s4 =	sand.u32 $0x1, s4;
	s5 =	sshll.u32 s5, $0x1;
	s21 =	sld [smem:$0x3]  }
0x30: {  	s20 =	sld [smem:$0x4];
	s26 =	ssub.s32 $0x2, s4;
	s22 =	sor.u32 s4, s5  }
0x31: {  	s24 =	sshrl.u32 s26, $0x1;
	s23 =	sshll.u32 s22, $0x4;
	s25 =	sshll.u32 s22, $0x7  }
0x32: {  	s24 =	ssub.s32 s26, s24;
	s4 =	sadd.s32 s1, s23;
	s5 =	sadd.s32 s2, s23  }
0x33: {  	s6 =	sadd.s32 s6, s23;
	s7 =	sadd.s32 s7, s23;
	s8 =	sadd.s32 s8, s23  }
0x34: {  	s9 =	sadd.s32 s9, s23;
	s10 =	sadd.s32 s10, s23;
	s11 =	sadd.s32 s11, s23  }
0x35: {  	s12 =	sadd.s32 s12, s23;
	s13 =	sadd.s32 s13, s23;
	s14 =	sadd.s32 s14, s23  }
0x36: {  	s15 =	sadd.s32 s15, s23;
	s16 =	sadd.s32 s16, s23;
	s17 =	sadd.s32 s17, s23  }
0x37: {  	s26 =	sshll.u32 s22, $0x5;
	[dreg:$0xe] =	wrdreg s20;
	s3 =	sadd.s32 $0x2A00, s3  }
0x38: {  	s18 =	sadd.s32 s18, s25;
	s19 =	sadd.s32 s19, s23;
	s21 =	sadd.s32 s21, s26  }
0x39: {  	s22 =	smax.u32 s24, $0x1;
	s23 =	simm.s32 $0x80;
	s24 =	simm.s32 $0x400  }
0x3a: {  	s25 =	simm.s32 $0x1400;
	_ =	strace $0x80000047;
	s20 =	sadd.s32 $0x2000, s18  }
.LBB3_1:
0x3b: {  	[tilespmem:s25], [sflag:$0x1] =	stream.strided.gather [hbm4b:s3+s23], $0xC80, s24, s23, $0x38;
	[tilespmem:$0x2180] =	vst v63  }
0x3c: {  	_ = 	snop  }
0x3d: {  	[tilespmem:s0], [sflag:$0x1] =	stream.linear.gather [hbm4b:s4+s0], $0x80, $0x38;
	[tilespmem:$0x2180] =	vst v63  }
0x3e: {  	_ = 	snop  }
0x3f: {  	[tilespmem:s23], [sflag:$0x1] =	stream.linear.gather [hbm4b:s5+s0], $0x80, $0x38;
	[tilespmem:$0x2180] =	vst v63  }
0x40: {  	s1 =	simm.s32 $0x100  }
0x41: {  	[tilespmem:s1], [sflag:$0x1] =	stream.linear.gather [hbm4b:s6+s0], $0x80, $0x38;
	[tilespmem:$0x2180] =	vst v63  }
0x42: {  	s2 =	simm.s32 $0x180  }
0x43: {  	[tilespmem:s2], [sflag:$0x1] =	stream.linear.gather [hbm4b:s7+s0], $0x80, $0x38;
	[tilespmem:$0x2180] =	vst v63  }
0x44: {  	s26 =	simm.s32 $0x200  }
0x45: {  	[tilespmem:s26], [sflag:$0x1] =	stream.linear.gather [hbm4b:s8+s0], $0x80, $0x38;
	[tilespmem:$0x2180] =	vst v63  }
0x46: {  	s2 =	simm.s32 $0x280  }
0x47: {  	[tilespmem:s2], [sflag:$0x1] =	stream.linear.gather [hbm4b:s9+s0], $0x80, $0x38;
	[tilespmem:$0x2180] =	vst v63  }
0x48: {  	s26 =	simm.s32 $0x300  }
0x49: {  	[tilespmem:s26], [sflag:$0x1] =	stream.linear.gather [hbm4b:s10+s0], $0x80, $0x38;
	[tilespmem:$0x2180] =	vst v63  }
0x4a: {  	s2 =	simm.s32 $0x380  }
0x4b: {  	[tilespmem:s2], [sflag:$0x1] =	stream.linear.gather [hbm4b:s11+s0], $0x80, $0x38;
	[tilespmem:$0x2180] =	vst v63  }
0x4c: {  	_ = 	snop  }
0x4d: {  	[tilespmem:s24], [sflag:$0x1] =	stream.linear.gather [hbm4b:s12+s0], $0x80, $0x38;
	[tilespmem:$0x2180] =	vst v63  }
0x4e: {  	s26 =	simm.s32 $0x480  }
0x4f: {  	[tilespmem:s26], [sflag:$0x1] =	stream.linear.gather [hbm4b:s13+s0], $0x80, $0x38;
	[tilespmem:$0x2180] =	vst v63  }
0x50: {  	s2 =	simm.s32 $0x500  }
0x51: {  	[tilespmem:s2], [sflag:$0x1] =	stream.linear.gather [hbm4b:s14+s0], $0x80, $0x38;
	[tilespmem:$0x2180] =	vst v63  }
0x52: {  	s26 =	simm.s32 $0x580  }
0x53: {  	[tilespmem:s26], [sflag:$0x1] =	stream.linear.gather [hbm4b:s15+s0], $0x80, $0x38;
	[tilespmem:$0x2180] =	vst v63  }
0x54: {  	s2 =	simm.s32 $0x600  }
0x55: {  	[tilespmem:s2], [sflag:$0x1] =	stream.linear.gather [hbm4b:s16+s0], $0x80, $0x38;
	[tilespmem:$0x2180] =	vst v63  }
0x56: {  	s26 =	simm.s32 $0x680  }
0x57: {  	[tilespmem:s26], [sflag:$0x1] =	stream.linear.gather [hbm4b:s17+s0], $0x80, $0x38;
	[tilespmem:$0x2180] =	vst v63  }
0x58: {  	s2 =	simm.s32 $0x700  }
0x59: {  	[tilespmem:s2], [sflag:$0x1] =	stream.linear.gather [hbm4b:s19+s0], $0x80, $0x38;
	[tilespmem:$0x2180] =	vst v63  }
0x5a: {  	s26 =	simm.s32 $0x8000;
	s2 =	simm.s32 $0x800  }
0x5b: {  	[tilespmem:s2], [sflag:$0x1] =	stream.strided.gather [hbm4b:s18+s24], $0x800, s26, s24, $0x38;
	[tilespmem:$0x2180] =	vst v63  }
0x5c: {  	s26 =	simm.s32 $0x1000  }
0x5d: {  	[tilespmem:s26], [sflag:$0x1] =	stream.linear.gather [hbm4b:s20+s0], $0x200, $0x38;
	[tilespmem:$0x2180] =	vst v63  }
0x5e: {  	_ =	swait.ge [sflag:s28], $0xC80  }
0x5f: {  	[sflag:s28] =	ssyncset.done $0x0  }
0x60: {  	[sflag:s28] =	ssyncadd.s32 $0xFFFFF380  }
0x61: {  	_ =	swait.ge [sflag:s28], $0x80  }
0x62: {  	[sflag:s28] =	ssyncset.done $0x0  }
0x63: {  	[sflag:s28] =	ssyncadd.s32 $0xFFFFFF80  }
0x64: {  	_ =	swait.ge [sflag:s28], $0x80  }
0x65: {  	[sflag:s28] =	ssyncset.done $0x0  }
0x66: {  	[sflag:s28] =	ssyncadd.s32 $0xFFFFFF80  }
0x67: {  	_ =	swait.ge [sflag:s28], $0x80  }
0x68: {  	[sflag:s28] =	ssyncset.done $0x0  }
0x69: {  	[sflag:s28] =	ssyncadd.s32 $0xFFFFFF80  }
0x6a: {  	_ =	swait.ge [sflag:s28], $0x80  }
0x6b: {  	[sflag:s28] =	ssyncset.done $0x0  }
0x6c: {  	[sflag:s28] =	ssyncadd.s32 $0xFFFFFF80  }
0x6d: {  	_ =	swait.ge [sflag:s28], $0x80  }
0x6e: {  	[sflag:s28] =	ssyncset.done $0x0  }
0x6f: {  	[sflag:s28] =	ssyncadd.s32 $0xFFFFFF80  }
0x70: {  	_ =	swait.ge [sflag:s28], $0x80  }
0x71: {  	[sflag:s28] =	ssyncset.done $0x0  }
0x72: {  	[sflag:s28] =	ssyncadd.s32 $0xFFFFFF80  }
0x73: {  	_ =	swait.ge [sflag:s28], $0x80  }
0x74: {  	[sflag:s28] =	ssyncset.done $0x0  }
0x75: {  	[sflag:s28] =	ssyncadd.s32 $0xFFFFFF80  }
0x76: {  	_ =	swait.ge [sflag:s28], $0x80  }
0x77: {  	[sflag:s28] =	ssyncset.done $0x0  }
0x78: {  	[sflag:s28] =	ssyncadd.s32 $0xFFFFFF80  }
0x79: {  	_ =	swait.ge [sflag:s28], $0x80  }
0x7a: {  	[sflag:s28] =	ssyncset.done $0x0  }
0x7b: {  	[sflag:s28] =	ssyncadd.s32 $0xFFFFFF80  }
0x7c: {  	_ =	swait.ge [sflag:s28], $0x80  }
0x7d: {  	[sflag:s28] =	ssyncset.done $0x0  }
0x7e: {  	[sflag:s28] =	ssyncadd.s32 $0xFFFFFF80  }
0x7f: {  	_ =	swait.ge [sflag:s28], $0x80  }
0x80: {  	[sflag:s28] =	ssyncset.done $0x0  }
0x81: {  	[sflag:s28] =	ssyncadd.s32 $0xFFFFFF80  }
0x82: {  	_ =	swait.ge [sflag:s28], $0x80  }
0x83: {  	[sflag:s28] =	ssyncset.done $0x0  }
0x84: {  	[sflag:s28] =	ssyncadd.s32 $0xFFFFFF80  }
0x85: {  	_ =	swait.ge [sflag:s28], $0x80  }
0x86: {  	[sflag:s28] =	ssyncset.done $0x0  }
0x87: {  	[sflag:s28] =	ssyncadd.s32 $0xFFFFFF80  }
0x88: {  	_ =	swait.ge [sflag:s28], $0x80  }
0x89: {  	[sflag:s28] =	ssyncset.done $0x0  }
0x8a: {  	[sflag:s28] =	ssyncadd.s32 $0xFFFFFF80  }
0x8b: {  	_ =	swait.ge [sflag:s28], $0x80  }
0x8c: {  	[sflag:s28] =	ssyncset.done $0x0  }
0x8d: {  	[sflag:s28] =	ssyncadd.s32 $0xFFFFFF80  }
0x8e: {  	_ =	swait.ge [sflag:s28], $0xA00  }
0x8f: {  	[sflag:s28] =	ssyncset.done $0x0  }
0x90: {  	s1 =	simm.s32 $0x0;
	[sflag:s28] =	ssyncadd.s32 $0xFFFFF600  }
0x91: {  	v2 =	vld [tilespmem:s1+$0x1000]  }
0x92: {  	v0 =	vld [tilespmem:s1+$0x1080]  }
0x93: {  	v1 =	vld [tilespmem:s1+$0x1100]  }
0x94: {  	v3 =	vld [tilespmem:s1+$0x1180]  }
0x95: {  	v6 =	vld [tilespmem:s1+$0xE00]  }
0x96: {  	v4 =	vld [tilespmem:s1+$0xE80]  }
0x97: {  	v5 =	vld [tilespmem:s1+$0xF00]  }
0x98: {  	v7 =	vld [tilespmem:s1+$0xF80]  }
0x99: {  	v9 =	vld [tilespmem:s1+$0xC00]  }
0x9a: {  	v8 =	vld [tilespmem:s1+$0xC80]  }
0x9b: {  	v10 =	vld [tilespmem:s1+$0xD00]  }
0x9c: {  	v11 =	vld [tilespmem:s1+$0xD80]  }
0x9d: {  	v14 =	vld [tilespmem:s1+$0xA00]  }
0x9e: {  	v12 =	vld [tilespmem:s1+$0xA80]  }
0x9f: {  	v13 =	vld [tilespmem:s1+$0xB00]  }
0xa0: {  	v17 =	vld [tilespmem:s1+$0xB80]  }
0xa1: {  	v22 =	vld [tilespmem:s1+$0x800]  }
0xa2: {  	v23 =	vld [tilespmem:s1+$0x880]  }
0xa3: {  	v33 =	vld [tilespmem:s1+$0x900]  }
0xa4: {  	v31 =	vld [tilespmem:s1+$0x980]  }
0xa5: {  	v16 =	vld [tilespmem:s1+$0x580]  }
0xa6: {  	v30 =	vld [tilespmem:s1+$0x600]  }
0xa7: {  	v32 =	vld [tilespmem:s1+$0x680]  }
0xa8: {  	v15 =	vld [tilespmem:s1+$0x700]  }
0xa9: {  	v18 =	vld [tilespmem:s1+$0x380]  }
0xaa: {  	v19 =	vld [tilespmem:s1+$0x180]  }
0xab: {  	v20 =	vld [tilespmem:s1+$0x280]  }
0xac: {  	v21 =	vld [tilespmem:s1+$0x200]  }
0xad: {  	v24 =	vld [tilespmem:s1+$0x500]  }
0xae: {  	v25 =	vld [tilespmem:s1+$0x400]  }
0xaf: {  	v34 =	vld [tilespmem:s1+$0x480];
	v19 =	vadd.s32 $0x300, v19  }
0xb0: {  	v26 =	vld [tilespmem:s1+$0x0];
	v35 =	vadd.s32 $0x400, v20  }
0xb1: {  	v27 =	vld [tilespmem:s1+$0x300];
	v21 =	vadd.s32 $0x380, v21  }
0xb2: {  	v28 =	vld [tilespmem:s1+$0x80];
	v36 =	vadd.s32 $0x780, v24  }
0xb3: {  	v29 =	vld [tilespmem:s1+$0x100];
	v37 =	vadd.s32 $0x600, v18  }
0xb4: {  	v25 =	vadd.s32 $0x680, v25;
	v20 =	vld.idx.msk [tilespmem:v19+s25+$0x0], $0xffff  }
0xb5: {  	v62 =	vadd.s32 $0xA80, v15;
	v18 =	vld.idx.msk [tilespmem:v35+s25+$0x0], $0xffff  }
0xb6: {  	v63 =	vadd.s32 $0x800, v16;
	v24 =	vld.idx.msk [tilespmem:v21+s25+$0x0], $0xffff  }
0xb7: {  	v19 =	vadd.s32 $0x700, v34;
	v15 =	vld.idx.msk [tilespmem:v36+s25+$0x0], $0xffff  }
0xb8: {  	v21 =	vld.idx.msk [tilespmem:v37+s25+$0x0], $0xffff;
	v34 =	vadd.s32 $0xA00, v32  }
0xb9: {  	v30 =	vadd.s32 $0x980, v30;
	v25 =	vld.idx.msk [tilespmem:v25+s25+$0x0], $0xffff  }
0xba: {  	v31 =	vadd.s32 $0xC00, v31;
	v16 =	vld.idx.msk [tilespmem:v62+s25+$0x0], $0xffff  }
0xbb: {  	v32 =	vadd.s32 $0xC00, v22;
	v22 =	vld.idx.msk [tilespmem:v63+s25+$0x0], $0xffff  }
0xbc: {  	s2 =	simm.s32 $0x40;
	v33 =	vadd.s32 $0xC00, v33;
	v19 =	vld.idx.msk [tilespmem:v19+s25+$0x0], $0xffff  }
.LBB3_2:
0xbd: {  	p0 =	sne.s32 s2, $0x1C0;
	v34 =	vld.idx.msk [tilespmem:v34+s25+$0x0], $0xffff;
	v23 =	vadd.s32 $0xC00, v23  }
0xbe: {  	v17 =	vadd.s32 $0xC00, v17;
	v30 =	vld.idx.msk [tilespmem:v30+s25+$0x0], $0xffff  }
0xbf: {  	v14 =	vadd.s32 $0xC00, v14;
	v31 =	vld.idx.msk [tilespmem:v31+s25+$0x0], $0xffff  }
0xc0: {  	v32 =	vld.idx.msk [tilespmem:v32+s25+$0x0], $0xffff  }
0xc1: {  	v28 =	vadd.s32 $0x100, v28;
	v33 =	vld.idx.msk [tilespmem:v33+s25+$0x0], $0xffff  }
0xc2: {  	v29 =	vadd.s32 $0x200, v29;
	v23 =	vld.idx.msk [tilespmem:v23+s25+$0x0], $0xffff  }
0xc3: {  	v13 =	vadd.s32 $0xC00, v13;
	v17 =	vld.idx.msk [tilespmem:v17+s25+$0x0], $0xffff  }
0xc4: {  	v27 =	vadd.s32 $0x480, v27;
	v14 =	vld.idx.msk [tilespmem:v14+s25+$0x0], $0xffff  }
0xc5: {  	v12 =	vadd.s32 $0xC00, v12;
	v26 =	vld.idx.msk [tilespmem:v26+s25+$0x0], $0xffff  }
0xc6: {  	v11 =	vadd.s32 $0xC00, v11;
	v28 =	vld.idx.msk [tilespmem:v28+s25+$0x0], $0xffff  }
0xc7: {  	v9 =	vadd.s32 $0xC00, v9;
	v29 =	vld.idx.msk [tilespmem:v29+s25+$0x0], $0xffff  }
0xc8: {  	v10 =	vadd.s32 $0xC00, v10;
	v13 =	vld.idx.msk [tilespmem:v13+s25+$0x0], $0xffff  }
0xc9: {  	v8 =	vadd.s32 $0xC00, v8;
	v27 =	vld.idx.msk [tilespmem:v27+s25+$0x0], $0xffff  }
0xca: {  	v7 =	vadd.s32 $0xC00, v7;
	v12 =	vld.idx.msk [tilespmem:v12+s25+$0x0], $0xffff  }
0xcb: {  	v6 =	vadd.s32 $0xC00, v6;
	v11 =	vld.idx.msk [tilespmem:v11+s25+$0x0], $0xffff  }
0xcc: {  	v5 =	vadd.s32 $0xC00, v5;
	v26 =	vadd.f32 $0.0e+00, v26;
	v9 =	vld.idx.msk [tilespmem:v9+s25+$0x0], $0xffff  }
0xcd: {  	v4 =	vadd.s32 $0xC00, v4;
	v28 =	vadd.f32 $0.0e+00, v28;
	v29 =	vadd.f32 $0.0e+00, v29;
	v10 =	vld.idx.msk [tilespmem:v10+s25+$0x0], $0xffff  }
0xce: {  	v20 =	vadd.f32 $0.0e+00, v20;
	v3 =	vadd.s32 $0xC00, v3;
	v24 =	vadd.f32 v24, v26;
	v8 =	vld.idx.msk [tilespmem:v8+s25+$0x0], $0xffff  }
0xcf: {  	v2 =	vadd.s32 $0xC00, v2;
	v18 =	vadd.f32 v18, v28;
	v26 =	vadd.f32 v27, v29;
	v7 =	vld.idx.msk [tilespmem:v7+s25+$0x0], $0xffff  }
0xd0: {  	v1 =	vadd.s32 $0xC00, v1;
	v20 =	vadd.f32 v21, v20;
	v21 =	vadd.f32 v25, v24;
	v6 =	vld.idx.msk [tilespmem:v6+s25+$0x0], $0xffff  }
0xd1: {  	v0 =	vadd.s32 $0xC00, v0;
	v18 =	vadd.f32 v19, v18;
	v15 =	vadd.f32 v15, v26;
	v5 =	vld.idx.msk [tilespmem:v5+s25+$0x0], $0xffff  }
0xd2: {  	v19 =	vadd.f32 v22, v20;
	v20 =	vadd.f32 v30, v21;
	v4 =	vld.idx.msk [tilespmem:v4+s25+$0x0], $0xffff  }
0xd3: {  	v18 =	vadd.f32 v34, v18;
	v15 =	vadd.f32 v16, v15;
	v3 =	vld.idx.msk [tilespmem:v3+s25+$0x0], $0xffff  }
0xd4: {  	v16 =	vadd.f32 v32, v19;
	v19 =	vadd.f32 v23, v20;
	v2 =	vld.idx.msk [tilespmem:v2+s25+$0x0], $0xffff  }
0xd5: {  	v18 =	vadd.f32 v33, v18;
	v15 =	vadd.f32 v31, v15;
	v1 =	vld.idx.msk [tilespmem:v1+s25+$0x0], $0xffff  }
0xd6: {  	v14 =	vadd.f32 v14, v16;
	v12 =	vadd.f32 v12, v19;
	v0 =	vld.idx.msk [tilespmem:v0+s25+$0x0], $0xffff  }
0xd7: {  	v13 =	vadd.f32 v13, v18;
	v15 =	vadd.f32 v17, v15  }
0xd8: {  	v9 =	vadd.f32 v9, v14;
	v8 =	vadd.f32 v8, v12  }
0xd9: {  	v10 =	vadd.f32 v10, v13;
	v11 =	vadd.f32 v11, v15  }
0xda: {  	v6 =	vadd.f32 v6, v9;
	v4 =	vadd.f32 v4, v8  }
0xdb: {  	v5 =	vadd.f32 v5, v10;
	v7 =	vadd.f32 v7, v11  }
0xdc: {  	v2 =	vadd.f32 v2, v6;
	v0 =	vadd.f32 v0, v4  }
0xdd: {  	v1 =	vadd.f32 v1, v5;
	v3 =	vadd.f32 v3, v7;
	_ =	sdelay $0x1  }
0xde: {  	v0 =	vadd.f32 v1, v0;
	v1 =	vadd.f32 v3, v2;
	_ =	sdelay $0x1  }
0xdf: {  	v15 =	vadd.f32 v1, v0;
	_ =	sdelay $0x1  }
0xe0: {  	v0 =	vand.u32 $0x7FFFFFFF, v15;
	v16 =	vmax.f32 v15, $0.0e+00  }
0xe1: {  	v0 =	vsub.f32 $0.0e+00, v0;
	_ =	sdelay $0x1  }
0xe2: {  	v0 =	vmul.f32 $1.442695020e+00, v0;
	_ =	sdelay $0x1  }
0xe3: {  	(erf) = vpow2.f32 v0;
	_ =	sdelay $0x8  }
0xe4: {  	v8 =	vpop (erf)  }
0xe5: {  	v0 =	vadd.f32 $2.000000000e+00, v8;
	_ =	sdelay $0x1  }
0xe6: {  	(erf) = vrcp.f32 v0;
	_ =	sdelay $0x1  }
0xe7: {  	s26 =	sshra.s32 s2, $0x2  }
0xe8: {  	v2 =	vld [tilespmem:s26+$0x1000]  }
0xe9: {  	v0 =	vld [tilespmem:s26+$0x1080]  }
0xea: {  	v1 =	vld [tilespmem:s26+$0x1100]  }
0xeb: {  	v3 =	vld [tilespmem:s26+$0x1180]  }
0xec: {  	v6 =	vld [tilespmem:s26+$0xE00]  }
0xed: {  	v4 =	vld [tilespmem:s26+$0xE80]  }
0xee: {  	v5 =	vld [tilespmem:s26+$0xF00];
	v9 =	vpop (erf)  }
0xef: {  	v7 =	vld [tilespmem:s26+$0xF80];
	v18 =	vmul.f32 v9, v8  }
0xf0: {  	v9 =	vld [tilespmem:s26+$0xC00]  }
0xf1: {  	v8 =	vld [tilespmem:s26+$0xC80];
	v19 =	vmul.f32 v18, v18  }
0xf2: {  	v10 =	vld [tilespmem:s26+$0xD00]  }
0xf3: {  	v11 =	vld [tilespmem:s26+$0xD80];
	v13 =	vmul.f32 $1.111111120e-01, v19  }
0xf4: {  	v14 =	vld [tilespmem:s26+$0xA00]  }
0xf5: {  	v12 =	vld [tilespmem:s26+$0xA80];
	v20 =	vadd.f32 $1.428571490e-01, v13  }
0xf6: {  	v13 =	vld [tilespmem:s26+$0xB00]  }
0xf7: {  	v17 =	vld [tilespmem:s26+$0xB80];
	v20 =	vmul.f32 v20, v19  }
0xf8: {  	v22 =	vld [tilespmem:s26+$0x800]  }
0xf9: {  	v23 =	vld [tilespmem:s26+$0x880];
	v20 =	vadd.f32 $2.000000030e-01, v20  }
0xfa: {  	v33 =	vld [tilespmem:s26+$0x900]  }
0xfb: {  	v31 =	vld [tilespmem:s26+$0x980];
	v20 =	vmul.f32 v20, v19  }
0xfc: {  	v21 =	vld [tilespmem:s26+$0x580]  }
0xfd: {  	v25 =	vld [tilespmem:s26+$0x600];
	v20 =	vadd.f32 $3.333333430e-01, v20  }
0xfe: {  	v30 =	vld [tilespmem:s26+$0x680]  }
0xff: {  	v32 =	vld [tilespmem:s26+$0x700];
	v19 =	vmul.f32 v20, v19  }
0x100: {  	v20 =	vld [tilespmem:s26+$0x380]  }
0x101: {  	v18 =	vadd.f32 v18, v18;
	v24 =	vld [tilespmem:s26+$0x180];
	v19 =	vadd.f32 $1.000000000e+00, v19  }
0x102: {  	v15 =	vsub.f32 $0.0e+00, v15;
	v27 =	vld [tilespmem:s26+$0x280]  }
0x103: {  	v28 =	vld [tilespmem:s26+$0x200];
	v18 =	vmul.f32 v19, v18  }
0x104: {  	v15 =	vmax.f32 v15, $0.0e+00;
	v19 =	vld [tilespmem:s26+$0x500]  }
0x105: {  	v34 =	vld [tilespmem:s26+$0x400];
	v16 =	vadd.f32 v18, v16;
	v15 =	vadd.f32 v18, v15  }
0x106: {  	v18 =	vadd.s32 $0x300, v24;
	v24 =	vld [tilespmem:s26+$0x480]  }
0x107: {  	v26 =	vld [tilespmem:s26+$0x0];
	v35 =	vadd.s32 $0x400, v27;
	v16 =	vsub.f32 $0.0e+00, v16;
	v15 =	vsub.f32 $0.0e+00, v15  }
0x108: {  	v36 =	vadd.s32 $0x380, v28;
	v27 =	vld [tilespmem:s26+$0x300]  }
0x109: {  	v28 =	vld [tilespmem:s26+$0x80];
	v19 =	vadd.s32 $0x780, v19;
	[tilespmem:s1+$0x2100] =	vst v15  }
0x10a: {  	v37 =	vadd.s32 $0x600, v20;
	v29 =	vld [tilespmem:s26+$0x100];
	[tilespmem:s1+$0x2080] =	vst v16;
	s1 =	smov.u32 s26  }
0x10b: {  	v20 =	vld.idx.msk [tilespmem:v18+s25+$0x0], $0xffff;
	v16 =	vadd.s32 $0x700, v24  }
0x10c: {  	v18 =	vld.idx.msk [tilespmem:v35+s25+$0x0], $0xffff;
	v35 =	vadd.s32 $0x680, v34  }
0x10d: {  	v32 =	vadd.s32 $0xA80, v32;
	v24 =	vld.idx.msk [tilespmem:v36+s25+$0x0], $0xffff  }
0x10e: {  	v36 =	vadd.s32 $0x800, v21;
	v15 =	vld.idx.msk [tilespmem:v19+s25+$0x0], $0xffff  }
.Ltmp0:
0x10f: {  	v34 =	vadd.s32 $0xA00, v30;
	v21 =	vld.idx.msk [tilespmem:v37+s25+$0x0], $0xffff;
	(pc) =	sbr.rel @p0 .LBB3_2-.Ltmp0, $4  }
0x110: {  	v30 =	vadd.s32 $0x980, v25;
	v19 =	vld.idx.msk [tilespmem:v16+s25+$0x0], $0xffff  }
0x111: {  	v31 =	vadd.s32 $0xC00, v31;
	v25 =	vld.idx.msk [tilespmem:v35+s25+$0x0], $0xffff  }
0x112: {  	v16 =	vld.idx.msk [tilespmem:v32+s25+$0x0], $0xffff;
	v32 =	vadd.s32 $0xC00, v22  }
0x113: {  	s2 =	sadd.s32 $0x40, s2;
	v33 =	vadd.s32 $0xC00, v33;
	v22 =	vld.idx.msk [tilespmem:v36+s25+$0x0], $0xffff  }
0x114: {  	_ =	sdelay $0x3  }
0x115: {  	v34 =	vld.idx.msk [tilespmem:v34+s25+$0x0], $0xffff  }
0x116: {  	v23 =	vadd.s32 $0xC00, v23;
	v30 =	vld.idx.msk [tilespmem:v30+s25+$0x0], $0xffff  }
0x117: {  	v17 =	vadd.s32 $0xC00, v17;
	v31 =	vld.idx.msk [tilespmem:v31+s25+$0x0], $0xffff  }
0x118: {  	v32 =	vld.idx.msk [tilespmem:v32+s25+$0x0], $0xffff;
	v28 =	vadd.s32 $0x100, v28  }
0x119: {  	v33 =	vld.idx.msk [tilespmem:v33+s25+$0x0], $0xffff;
	v29 =	vadd.s32 $0x200, v29  }
0x11a: {  	v14 =	vadd.s32 $0xC00, v14;
	v26 =	vld.idx.msk [tilespmem:v26+s25+$0x0], $0xffff  }
0x11b: {  	v27 =	vadd.s32 $0x480, v27;
	v23 =	vld.idx.msk [tilespmem:v23+s25+$0x0], $0xffff  }
0x11c: {  	v13 =	vadd.s32 $0xC00, v13;
	v17 =	vld.idx.msk [tilespmem:v17+s25+$0x0], $0xffff  }
0x11d: {  	v12 =	vadd.s32 $0xC00, v12;
	v28 =	vld.idx.msk [tilespmem:v28+s25+$0x0], $0xffff  }
0x11e: {  	v11 =	vadd.s32 $0xC00, v11;
	v29 =	vld.idx.msk [tilespmem:v29+s25+$0x0], $0xffff  }
0x11f: {  	v9 =	vadd.s32 $0xC00, v9;
	v14 =	vld.idx.msk [tilespmem:v14+s25+$0x0], $0xffff  }
0x120: {  	v10 =	vadd.s32 $0xC00, v10;
	v27 =	vld.idx.msk [tilespmem:v27+s25+$0x0], $0xffff  }
0x121: {  	v8 =	vadd.s32 $0xC00, v8;
	v13 =	vld.idx.msk [tilespmem:v13+s25+$0x0], $0xffff  }
0x122: {  	v7 =	vadd.s32 $0xC00, v7;
	v12 =	vld.idx.msk [tilespmem:v12+s25+$0x0], $0xffff;
	v26 =	vadd.f32 $0.0e+00, v26  }
0x123: {  	v6 =	vadd.s32 $0xC00, v6;
	v11 =	vld.idx.msk [tilespmem:v11+s25+$0x0], $0xffff;
	v28 =	vadd.f32 $0.0e+00, v28;
	v29 =	vadd.f32 $0.0e+00, v29  }
0x124: {  	v5 =	vadd.s32 $0xC00, v5;
	v20 =	vadd.f32 $0.0e+00, v20;
	v9 =	vld.idx.msk [tilespmem:v9+s25+$0x0], $0xffff;
	v24 =	vadd.f32 v24, v26  }
0x125: {  	v4 =	vadd.s32 $0xC00, v4;
	v10 =	vld.idx.msk [tilespmem:v10+s25+$0x0], $0xffff;
	v18 =	vadd.f32 v18, v28;
	v52 =	vadd.f32 v27, v29  }
0x126: {  	v3 =	vadd.s32 $0xC00, v3;
	v20 =	vadd.f32 v21, v20;
	v8 =	vld.idx.msk [tilespmem:v8+s25+$0x0], $0xffff;
	v53 =	vadd.f32 v25, v24  }
0x127: {  	v2 =	vadd.s32 $0xC00, v2;
	v7 =	vld.idx.msk [tilespmem:v7+s25+$0x0], $0xffff;
	v18 =	vadd.f32 v19, v18;
	v15 =	vadd.f32 v15, v52  }
0x128: {  	v0 =	vadd.s32 $0xC00, v0;
	v54 =	vadd.f32 v22, v20;
	v6 =	vld.idx.msk [tilespmem:v6+s25+$0x0], $0xffff;
	v55 =	vadd.f32 v30, v53  }
0x129: {  	v1 =	vadd.s32 $0xC00, v1;
	v5 =	vld.idx.msk [tilespmem:v5+s25+$0x0], $0xffff;
	v18 =	vadd.f32 v34, v18;
	v15 =	vadd.f32 v16, v15  }
0x12a: {  	v4 =	vld.idx.msk [tilespmem:v4+s25+$0x0], $0xffff;
	v56 =	vadd.f32 v32, v54;
	v57 =	vadd.f32 v23, v55  }
0x12b: {  	v3 =	vld.idx.msk [tilespmem:v3+s25+$0x0], $0xffff;
	v18 =	vadd.f32 v33, v18;
	v15 =	vadd.f32 v31, v15  }
0x12c: {  	v2 =	vld.idx.msk [tilespmem:v2+s25+$0x0], $0xffff;
	v14 =	vadd.f32 v14, v56;
	v12 =	vadd.f32 v12, v57  }
0x12d: {  	v0 =	vld.idx.msk [tilespmem:v0+s25+$0x0], $0xffff;
	v13 =	vadd.f32 v13, v18;
	v15 =	vadd.f32 v17, v15  }
0x12e: {  	v1 =	vld.idx.msk [tilespmem:v1+s25+$0x0], $0xffff;
	v9 =	vadd.f32 v9, v14;
	v8 =	vadd.f32 v8, v12  }
0x12f: {  	v10 =	vadd.f32 v10, v13;
	v11 =	vadd.f32 v11, v15  }
0x130: {  	v6 =	vadd.f32 v6, v9;
	v4 =	vadd.f32 v4, v8  }
0x131: {  	v5 =	vadd.f32 v5, v10;
	v7 =	vadd.f32 v7, v11  }
0x132: {  	v2 =	vadd.f32 v2, v6;
	v0 =	vadd.f32 v0, v4  }
0x133: {  	v1 =	vadd.f32 v1, v5;
	v3 =	vadd.f32 v3, v7;
	_ =	sdelay $0x1  }
0x134: {  	v0 =	vadd.f32 v1, v0;
	v58 =	vadd.f32 v3, v2;
	_ =	sdelay $0x1  }
0x135: {  	v0 =	vadd.f32 v58, v0;
	_ =	sdelay $0x1  }
0x136: {  	v1 =	vand.u32 $0x7FFFFFFF, v0  }
0x137: {  	v1 =	vsub.f32 $0.0e+00, v1;
	_ =	sdelay $0x1  }
0x138: {  	v1 =	vmul.f32 $1.442695020e+00, v1;
	_ =	sdelay $0x1  }
0x139: {  	(erf) = vpow2.f32 v1;
	_ =	sdelay $0x8  }
0x13a: {  	v1 =	vpop (erf)  }
0x13b: {  	v59 =	vadd.f32 $2.000000000e+00, v1;
	_ =	sdelay $0x1  }
0x13c: {  	(erf) = vrcp.f32 v59;
	_ =	sdelay $0x8  }
0x13d: {  	v2 =	vpop (erf)  }
0x13e: {  	v1 =	vmul.f32 v2, v1;
	_ =	sdelay $0x1  }
0x13f: {  	v2 =	vmul.f32 v1, v1;
	_ =	sdelay $0x1  }
0x140: {  	v60 =	vmul.f32 $1.111111120e-01, v2;
	_ =	sdelay $0x1  }
0x141: {  	v3 =	vadd.f32 $1.428571490e-01, v60;
	_ =	sdelay $0x1  }
0x142: {  	v3 =	vmul.f32 v3, v2;
	_ =	sdelay $0x1  }
0x143: {  	v3 =	vadd.f32 $2.000000030e-01, v3;
	_ =	sdelay $0x1  }
0x144: {  	v3 =	vmul.f32 v3, v2;
	_ =	sdelay $0x1  }
0x145: {  	v3 =	vadd.f32 $3.333333430e-01, v3;
	_ =	sdelay $0x1  }
0x146: {  	v2 =	vmul.f32 v3, v2;
	_ =	sdelay $0x1  }
0x147: {  	v1 =	vadd.f32 v1, v1;
	v2 =	vadd.f32 $1.000000000e+00, v2  }
0x148: {  	v61 =	vsub.f32 $0.0e+00, v0  }
0x149: {  	v1 =	vmul.f32 v2, v1  }
0x14a: {  	v62 =	vmax.f32 v61, $0.0e+00  }
0x14b: {  	v0 =	vmax.f32 v0, $0.0e+00;
	v2 =	vadd.f32 v1, v62  }
0x14c: {  	v0 =	vadd.f32 v1, v0  }
0x14d: {  	v63 =	vsub.f32 $0.0e+00, v2  }
0x14e: {  	s31 =	sadd.s32 $0x1, s31;
	v0 =	vsub.f32 $0.0e+00, v0  }
0x14f: {  	p0 =	sne.s32 s31, s22;
	[tilespmem:s1+$0x2100] =	vst v63  }
.Ltmp1:
0x150: {  	[tilespmem:s1+$0x2080] =	vst v0;
	(pc) =	sbr.rel @p0 .LBB3_1-.Ltmp1, $4  }
0x151: {  	[hbm4b:s21+s0] =	stream.linear.scatter [tilespmem:s29], [sflag:$0x2], $0x100, $0x38;
	[tilespmem:$0x2180] =	vst v63  }
0x152: {  	_ =	swait.ge [sflag:s30], $0x100  }
0x153: {  	[sflag:s30] =	ssyncset.done $0x0  }
0x154: {  	[sflag:s30] =	ssyncadd.s32 $0xFFFFFF00  }
0x155: {  	_ =	sfence.sel $0x180000  }
0x156: {  	[bflag:$0x0] =	sbarrier.arrive $0xFFFF  }
0x157: {  	_ =	strace $0x90000047  }
0x158: {  	s0 =	stileid.u32;
	[bflag:$0x2] =	sbarrier.arrive $0xFFFF  }
0x159: {  	p0 =	sne.s32 s0, $0x0;
	s0 =	rddreg [dreg:$0xe]  }
0x15a: {  	s0 =	sadd.s32 @!p0 $0x100000, s0  }
0x15b: {  	[sflag:s0] =	ssyncadd.tile.s32 @!p0 $0x1;
	_ =	shalt  }
.Lfunc_end3:
_tile_overlayer_lowered:
.L_overlay_start_3:
0x15c: {  	(tag) =	ssettag $0x3  }
0x15d: {  	s0 =	rddreg [dreg:$0x0];
	s2 =	stileid.u32  }
0x15e: {  	s1 =	rddreg [dreg:$0x1];
	p0 =	sne.s32 s2, $0x0  }
0x15f: {  	s3 =	rddreg [dreg:$0x2];
	[bflag:$0x3] =	sbarrier.arrive $0xFFFF;
	s2 =	simm.s32 @!p0 $0x1C02  }
0x160: {  	[timem:s3], [sflag:s2] =	dma.local @!p0 [hbm:s0], s1  }
0x161: {  	s0 =	simm.s32 @!p0 $0x2  }
0x162: {  	_ =	swait.ge @!p0 [sflag:s0], s1  }
0x163: {  	s1 =	ssub.s32 @!p0 $0x0, s1;
	[sflag:s0] =	ssyncset.done @!p0 $0x0  }
0x164: {  	[sflag:s0] =	ssyncadd.s32 @!p0 s1  }
0x165: {  	[bflag:$0x3] =	sbarrier.arrive $0xFFFF  }
0x166: {  	_ =	shalt  }

</sc_bundles>
